<compile_context>
chip_gen: v7x
topology: tpu7x:2x2x1
jax: 0.10.2.dev20260603
libtpu: 0.0.44.dev20260713+nightly
codegen_flags: <defaults>
</compile_context>

<pallas_src>
import jax
import jax.numpy as jnp
from jax.experimental import pallas as pl
from jax.experimental.pallas import tpu as pltpu

_SCORE_THRESH = 0.05
_NMS_THRESH = 0.5
_B = 256


def _overlap(x1a, y1a, x2a, y2a, aa, x1b, y1b, x2b, y2b, ab):
    xx1 = jnp.maximum(x1a, x1b)
    yy1 = jnp.maximum(y1a, y1b)
    xx2 = jnp.minimum(x2a, x2b)
    yy2 = jnp.minimum(y2a, y2b)
    inter = jnp.maximum(xx2 - xx1, 0.0) * jnp.maximum(yy2 - yy1, 0.0)
    union = aa + ab - inter
    return inter / jnp.maximum(union, 1e-12) > _NMS_THRESH


def _nms_kernel(x1r, y1r, x2r, y2r, ar, vr, keep):
    nb = x1r.shape[0]
    B = x1r.shape[1]
    keep[...] = vr[...]
    ii = jax.lax.broadcasted_iota(jnp.int32, (B, B), 0)
    jj = jax.lax.broadcasted_iota(jnp.int32, (B, B), 1)
    upper = (jj > ii).astype(jnp.bfloat16)

    def block_body(b, carry):
        keep_b0 = keep[pl.ds(b, 1), :]

        @pl.when(jnp.sum(keep_b0) > 0.0)
        def _():
            r1 = x1r[pl.ds(b, 1), :]
            r2 = y1r[pl.ds(b, 1), :]
            r3 = x2r[pl.ds(b, 1), :]
            r4 = y2r[pl.ds(b, 1), :]
            ra = ar[pl.ds(b, 1), :]
            c1 = jnp.swapaxes(r1, 0, 1)
            c2 = jnp.swapaxes(r2, 0, 1)
            c3 = jnp.swapaxes(r3, 0, 1)
            c4 = jnp.swapaxes(r4, 0, 1)
            ca = jnp.swapaxes(ra, 0, 1)

            ov_bb = _overlap(c1, c2, c3, c4, ca, r1, r2, r3, r4, ra)
            m_bb = ov_bb.astype(jnp.bfloat16) * upper

            def sweep(k):
                kw = jnp.broadcast_to(k, (8, B)).astype(jnp.bfloat16)
                sup = jnp.dot(kw, m_bb, preferred_element_type=jnp.float32)
                return keep_b0 * (sup[0:1, :] < 0.5).astype(jnp.float32)

            def fp_body(st):
                k, _ = st
                k2 = sweep(sweep(k))
                return k2, jnp.sum(k2) < jnp.sum(k)

            kb, _ = jax.lax.while_loop(lambda st: st[1], fp_body,
                                       (keep_b0, True))
            keep[pl.ds(b, 1), :] = kb
            kwp = jnp.broadcast_to(kb, (8, B)).astype(jnp.bfloat16)

            def push_one(c):
                s1 = x1r[pl.ds(c, 1), :]
                s2 = y1r[pl.ds(c, 1), :]
                s3 = x2r[pl.ds(c, 1), :]
                s4 = y2r[pl.ds(c, 1), :]
                sa = ar[pl.ds(c, 1), :]
                ov = _overlap(c1, c2, c3, c4, ca, s1, s2, s3, s4, sa)
                sup = jnp.dot(kwp, ov.astype(jnp.bfloat16),
                              preferred_element_type=jnp.float32)
                alivef = (sup[0:1, :] < 0.5).astype(jnp.float32)
                keep[pl.ds(c, 1), :] = keep[pl.ds(c, 1), :] * alivef

            def push_body(t, carry2):
                cA = b + 1 + 4 * t
                push_one(cA)
                push_one(jnp.minimum(cA + 1, nb - 1))
                push_one(jnp.minimum(cA + 2, nb - 1))
                push_one(jnp.minimum(cA + 3, nb - 1))
                return 0

            jax.lax.fori_loop(0, (nb - b + 2) // 4, push_body, 0)

        return 0

    jax.lax.fori_loop(0, nb, block_body, 0)


def kernel(boxes, scores):
    n = scores.shape[0]
    valid = scores > _SCORE_THRESH
    ss = jnp.where(valid, scores, jnp.float32(-1e30))
    order = jnp.argsort(-ss)
    bs = boxes[order]
    vs = valid[order]
    nb = -(-n // _B)
    npad = nb * _B
    pad = npad - n

    def prep(col):
        return jnp.pad(col, (0, pad)).reshape(nb, _B)

    x1 = prep(bs[:, 0])
    y1 = prep(bs[:, 1])
    x2 = prep(bs[:, 2])
    y2 = prep(bs[:, 3])
    ar = prep((bs[:, 2] - bs[:, 0]) * (bs[:, 3] - bs[:, 1]))
    vf = prep(vs.astype(jnp.float32))

    keep = pl.pallas_call(
        _nms_kernel,
        out_shape=jax.ShapeDtypeStruct((nb, _B), jnp.float32),
    )(x1, y1, x2, y2, ar, vf)

    keep_s = keep.reshape(npad)[:n] > 0.5
    keep_orig = jnp.zeros(n, dtype=bool).at[order].set(keep_s)
    m = keep_orig.astype(boxes.dtype)
    return jnp.concatenate([boxes * m[:, None], (scores * m)[:, None]], axis=1)

# --- scband reference (transcript-rebuilt; emitter-appended) ---
"""Pipeline reference for scband-nmswrapper-60464549593386 (READ-ONLY COPY).

The authoritative reference and input builder live on the scoring server;
editing this copy changes nothing except your own understanding.
"""

import jax, jax.numpy as jnp
import numpy as np

SCORE_THRESH = 0.05
NMS_THRESH = 0.5
N = 20000


def setup_inputs(seed: int = 0) -> dict:
    key = jax.random.key(seed)
    k1, k2, k3 = jax.random.split(key, 3)
    cxcy = jax.random.uniform(k1, (N, 2), dtype=jnp.float32) * 1000.0
    wh = jax.random.uniform(k2, (N, 2), dtype=jnp.float32) * 100.0 + 1.0
    boxes = jnp.concatenate([cxcy - wh / 2.0, cxcy + wh / 2.0], axis=1)
    scores = jax.random.uniform(k3, (N,), dtype=jnp.float32)
    return {"boxes": boxes, "scores": scores}


def _nms_keep(boxes, scores, score_thresh, iou_thresh):
    n = boxes.shape[0]
    valid = scores > score_thresh
    neg_inf = jnp.float32(-1e30)
    sort_scores = jnp.where(valid, scores, neg_inf)
    order = jnp.argsort(-sort_scores)
    b = boxes[order]
    v = valid[order]
    x1, y1, x2, y2 = b[:, 0], b[:, 1], b[:, 2], b[:, 3]
    areas = (x2 - x1) * (y2 - y1)
    idx = jnp.arange(n)

    def body(i, keep):
        xx1 = jnp.maximum(x1[i], x1)
        yy1 = jnp.maximum(y1[i], y1)
        xx2 = jnp.minimum(x2[i], x2)
        yy2 = jnp.minimum(y2[i], y2)
        inter = jnp.maximum(xx2 - xx1, 0.0) * jnp.maximum(yy2 - yy1, 0.0)
        union = areas[i] + areas - inter
        iou = inter / jnp.maximum(union, 1e-12)
        suppress = (iou > iou_thresh) & (idx > i) & keep[i] & keep
        return keep & (~suppress)

    keep = jax.lax.fori_loop(0, n, body, v)
    keep_orig = jnp.zeros(n, dtype=bool).at[order].set(keep)
    return keep_orig


def reference(boxes, scores):
    # score thresholding + NMS, as in NMSWrapper.forward (model treated as identity
    # producing raw detections). Since jax requires static shapes, filtered-out
    # detections are zero-masked instead of removed.
    keep = _nms_keep(boxes, scores, SCORE_THRESH, NMS_THRESH)
    mask = keep.astype(boxes.dtype)
    out = jnp.concatenate([boxes * mask[:, None], (scores * mask)[:, None]], axis=1)
    return out

if __name__ == "__main__":
    import jax
    _d = setup_inputs()
    print(jax.jit(kernel)(*tuple(_d.values())))

</pallas_src>

<mosaic_0001>
module attributes {stable_mosaic.version = 14 : i64} {
  func.func @_nms_kernel(%arg0: memref<79x256xf32, #tpu.memory_space<vmem>>, %arg1: memref<79x256xf32, #tpu.memory_space<vmem>>, %arg2: memref<79x256xf32, #tpu.memory_space<vmem>>, %arg3: memref<79x256xf32, #tpu.memory_space<vmem>>, %arg4: memref<79x256xf32, #tpu.memory_space<vmem>>, %arg5: memref<79x256xf32, #tpu.memory_space<vmem>>, %arg6: memref<79x256xf32, #tpu.memory_space<vmem>>) attributes {dimension_semantics = [], scalar_prefetch = 0 : i64, scratch_operands = 0 : i64, tpu.core_type = #tpu.core_type<tc>} {
    %get3A = arith.constant 0 : index
    %get3A_0 = arith.constant 0 : index
    %get3A_1 = vector.load %arg5[%get3A, %get3A_0] : memref<79x256xf32, #tpu.memory_space<vmem>>, vector<79x256xf32>
    %swap3A = arith.constant 0 : index
    %swap3A_2 = arith.constant 0 : index
    %swap3A_3 = vector.load %arg6[%swap3A, %swap3A_2] : memref<79x256xf32, #tpu.memory_space<vmem>>, vector<79x256xf32>
    tpu.vector_store %arg6[%swap3A, %swap3A_2], %get3A_1 {strides = array<i32>} : memref<79x256xf32, #tpu.memory_space<vmem>>, vector<79x256xf32>,
    %iota3A = tpu.iota {dimensions = array<i32: 0>} : vector<256x256xi32>
    %iota3A_4 = tpu.iota {dimensions = array<i32: 1>} : vector<256x256xi32>
    %gt3A = arith.cmpi sgt, %iota3A_4, %iota3A : vector<256x256xi32>
    %convert_element_type3A = arith.extui %gt3A : vector<256x256xi1> to vector<256x256xi32>
    %convert_element_type3A_5 = arith.sitofp %convert_element_type3A : vector<256x256xi32> to vector<256x256xf32>
    %convert_element_type3A_6 = arith.truncf %convert_element_type3A_5 : vector<256x256xf32> to vector<256x256xbf16>
    %scan3A = arith.constant 0 : i32
    %scan3A_7 = arith.constant 79 : i32
    %scan3A_8 = arith.addi %scan3A, %scan3A_7 : i32
    %scan3A_9 = arith.constant 1 : i32
    scf.for %scan3A_11 = %scan3A to %scan3A_8 step %scan3A_9  : i32 {
      %get3A_12 = arith.index_cast %scan3A_11 : i32 to index
      %get3A_13 = arith.constant 0 : index
      %get3A_14 = vector.load %arg6[%get3A_12, %get3A_13] : memref<79x256xf32, #tpu.memory_space<vmem>>, vector<1x256xf32>
      %reduce_sum3A = vector.shape_cast %get3A_14 : vector<1x256xf32> to vector<1x1x256xf32>
      %reduce_sum3A_15 = arith.constant dense<0.000000e+00> : vector<1xf32>
      %reduce_sum3A_16 = vector.multi_reduction <add>, %reduce_sum3A, %reduce_sum3A_15 [1, 2] : vector<1x1x256xf32> to vector<1xf32>
      %reduce_sum3A_17 = vector.shape_cast %reduce_sum3A_16 : vector<1xf32> to vector<1x1x1xf32>
      %reduce_sum3A_18 = vector.extract %reduce_sum3A_17[0, 0, 0] : f32 from vector<1x1x1xf32>
      %gt3A_19 = arith.constant 0.000000e+00 : f32
      %gt3A_20 = arith.cmpf ogt, %reduce_sum3A_18, %gt3A_19 : f32
      %convert_element_type3A_21 = arith.extui %gt3A_20 : i1 to i32
      %cond3A = arith.constant 0 : i32
      %cond3A_22 = arith.cmpi ne, %convert_element_type3A_21, %cond3A : i32
      scf.if %cond3A_22 {
        %get3A_23 = arith.index_cast %scan3A_11 : i32 to index
        %get3A_24 = arith.constant 0 : index
        %get3A_25 = vector.load %arg0[%get3A_23, %get3A_24] : memref<79x256xf32, #tpu.memory_space<vmem>>, vector<1x256xf32>
        %get3A_26 = arith.index_cast %scan3A_11 : i32 to index
        %get3A_27 = arith.constant 0 : index
        %get3A_28 = vector.load %arg1[%get3A_26, %get3A_27] : memref<79x256xf32, #tpu.memory_space<vmem>>, vector<1x256xf32>
        %get3A_29 = arith.index_cast %scan3A_11 : i32 to index
        %get3A_30 = arith.constant 0 : index
        %get3A_31 = vector.load %arg2[%get3A_29, %get3A_30] : memref<79x256xf32, #tpu.memory_space<vmem>>, vector<1x256xf32>
        %get3A_32 = arith.index_cast %scan3A_11 : i32 to index
        %get3A_33 = arith.constant 0 : index
        %get3A_34 = vector.load %arg3[%get3A_32, %get3A_33] : memref<79x256xf32, #tpu.memory_space<vmem>>, vector<1x256xf32>
        %get3A_35 = arith.index_cast %scan3A_11 : i32 to index
        %get3A_36 = arith.constant 0 : index
        %get3A_37 = vector.load %arg4[%get3A_35, %get3A_36] : memref<79x256xf32, #tpu.memory_space<vmem>>, vector<1x256xf32>
        %transpose3A = tpu.transpose %get3A_25, [1, 0] : vector<1x256xf32> -> vector<256x1xf32>
        %transpose3A_38 = tpu.transpose %get3A_28, [1, 0] : vector<1x256xf32> -> vector<256x1xf32>
        %transpose3A_39 = tpu.transpose %get3A_31, [1, 0] : vector<1x256xf32> -> vector<256x1xf32>
        %transpose3A_40 = tpu.transpose %get3A_34, [1, 0] : vector<1x256xf32> -> vector<256x1xf32>
        %transpose3A_41 = tpu.transpose %get3A_37, [1, 0] : vector<1x256xf32> -> vector<256x1xf32>
        %max3A = vector.broadcast %transpose3A : vector<256x1xf32> to vector<256x256xf32>
        %max3A_42 = vector.broadcast %get3A_25 : vector<1x256xf32> to vector<256x256xf32>
        %max3A_43 = arith.maximumf %max3A, %max3A_42 : vector<256x256xf32>
        %max3A_44 = vector.broadcast %transpose3A_38 : vector<256x1xf32> to vector<256x256xf32>
        %max3A_45 = vector.broadcast %get3A_28 : vector<1x256xf32> to vector<256x256xf32>
        %max3A_46 = arith.maximumf %max3A_44, %max3A_45 : vector<256x256xf32>
        %min3A = vector.broadcast %transpose3A_39 : vector<256x1xf32> to vector<256x256xf32>
        %min3A_47 = vector.broadcast %get3A_31 : vector<1x256xf32> to vector<256x256xf32>
        %min3A_48 = arith.minimumf %min3A, %min3A_47 : vector<256x256xf32>
        %min3A_49 = vector.broadcast %transpose3A_40 : vector<256x1xf32> to vector<256x256xf32>
        %min3A_50 = vector.broadcast %get3A_34 : vector<1x256xf32> to vector<256x256xf32>
        %min3A_51 = arith.minimumf %min3A_49, %min3A_50 : vector<256x256xf32>
        %sub3A = arith.subf %min3A_48, %max3A_43 : vector<256x256xf32>
        %max3A_52 = arith.constant 0.000000e+00 : f32
        %max3A_53 = vector.broadcast %max3A_52 : f32 to vector<256x256xf32>
        %max3A_54 = arith.maximumf %sub3A, %max3A_53 : vector<256x256xf32>
        %sub3A_55 = arith.subf %min3A_51, %max3A_46 : vector<256x256xf32>
        %max3A_56 = arith.constant 0.000000e+00 : f32
        %max3A_57 = vector.broadcast %max3A_56 : f32 to vector<256x256xf32>
        %max3A_58 = arith.maximumf %sub3A_55, %max3A_57 : vector<256x256xf32>
        %mul3A = arith.mulf %max3A_54, %max3A_58 : vector<256x256xf32>
        %add3A = vector.broadcast %transpose3A_41 : vector<256x1xf32> to vector<256x256xf32>
        %add3A_59 = vector.broadcast %get3A_37 : vector<1x256xf32> to vector<256x256xf32>
        %add3A_60 = arith.addf %add3A, %add3A_59 : vector<256x256xf32>
        %sub3A_61 = arith.subf %add3A_60, %mul3A : vector<256x256xf32>
        %max3A_62 = arith.constant 9.99999996E-13 : f32
        %max3A_63 = vector.broadcast %max3A_62 : f32 to vector<256x256xf32>
        %max3A_64 = arith.maximumf %sub3A_61, %max3A_63 : vector<256x256xf32>
        %div3A = arith.divf %mul3A, %max3A_64 : vector<256x256xf32>
        %gt3A_65 = arith.constant 5.000000e-01 : f32
        %gt3A_66 = vector.broadcast %gt3A_65 : f32 to vector<256x256xf32>
        %gt3A_67 = arith.cmpf ogt, %div3A, %gt3A_66 : vector<256x256xf32>
        %convert_element_type3A_68 = arith.extui %gt3A_67 : vector<256x256xi1> to vector<256x256xi32>
        %convert_element_type3A_69 = arith.sitofp %convert_element_type3A_68 : vector<256x256xi32> to vector<256x256xf32>
        %convert_element_type3A_70 = arith.truncf %convert_element_type3A_69 : vector<256x256xf32> to vector<256x256xbf16>
        %mul3A_71 = arith.mulf %convert_element_type3A_70, %convert_element_type3A_6 : vector<256x256xbf16>
        %while3A = arith.constant true
        %while3A_72:2 = scf.while (%while3A_112 = %get3A_14, %while3A_113 = %while3A) : (vector<1x256xf32>, i1) -> (vector<1x256xf32>, i1) {
          scf.condition(%while3A_113) %while3A_112, %while3A_113 : vector<1x256xf32>, i1
        } do {
        ^bb0(%while3A_112: vector<1x256xf32>, %while3A_113: i1):
          %broadcast_in_dim3A_114 = vector.shape_cast %while3A_112 : vector<1x256xf32> to vector<1x256xf32>
          %broadcast_in_dim3A_115 = vector.broadcast %broadcast_in_dim3A_114 : vector<1x256xf32> to vector<8x256xf32>
          %convert_element_type3A_116 = arith.truncf %broadcast_in_dim3A_115 : vector<8x256xf32> to vector<8x256xbf16>
          %dot_general3A = arith.constant dense<0.000000e+00> : vector<8x256xf32>
          %dot_general3A_117 = tpu.matmul %convert_element_type3A_116, %mul3A_71, %dot_general3A {dimension_numbers = #tpu.dot_dimension_numbers<[1], [0], [0], [1], [0, 0, 1, 1], [], []>, transpose_lhs_hint = false} : vector<8x256xbf16>, vector<256x256xbf16>, vector<8x256xf32> -> vector<8x256xf32>
          %slice3A = vector.extract_strided_slice %dot_general3A_117 {offsets = [0, 0], sizes = [1, 256], strides = [1, 1]} : vector<8x256xf32> to vector<1x256xf32>
          %lt3A = arith.constant 5.000000e-01 : f32
          %lt3A_118 = vector.broadcast %lt3A : f32 to vector<1x256xf32>
          %lt3A_119 = arith.cmpf olt, %slice3A, %lt3A_118 : vector<1x256xf32>
          %convert_element_type3A_120 = arith.extui %lt3A_119 : vector<1x256xi1> to vector<1x256xi32>
          %convert_element_type3A_121 = arith.sitofp %convert_element_type3A_120 : vector<1x256xi32> to vector<1x256xf32>
          %mul3A_122 = arith.mulf %get3A_14, %convert_element_type3A_121 : vector<1x256xf32>
          %broadcast_in_dim3A_123 = vector.shape_cast %mul3A_122 : vector<1x256xf32> to vector<1x256xf32>
          %broadcast_in_dim3A_124 = vector.broadcast %broadcast_in_dim3A_123 : vector<1x256xf32> to vector<8x256xf32>
          %convert_element_type3A_125 = arith.truncf %broadcast_in_dim3A_124 : vector<8x256xf32> to vector<8x256xbf16>
          %dot_general3A_126 = arith.constant dense<0.000000e+00> : vector<8x256xf32>
          %dot_general3A_127 = tpu.matmul %convert_element_type3A_125, %mul3A_71, %dot_general3A_126 {dimension_numbers = #tpu.dot_dimension_numbers<[1], [0], [0], [1], [0, 0, 1, 1], [], []>, transpose_lhs_hint = false} : vector<8x256xbf16>, vector<256x256xbf16>, vector<8x256xf32> -> vector<8x256xf32>
          %slice3A_128 = vector.extract_strided_slice %dot_general3A_127 {offsets = [0, 0], sizes = [1, 256], strides = [1, 1]} : vector<8x256xf32> to vector<1x256xf32>
          %lt3A_129 = arith.constant 5.000000e-01 : f32
          %lt3A_130 = vector.broadcast %lt3A_129 : f32 to vector<1x256xf32>
          %lt3A_131 = arith.cmpf olt, %slice3A_128, %lt3A_130 : vector<1x256xf32>
          %convert_element_type3A_132 = arith.extui %lt3A_131 : vector<1x256xi1> to vector<1x256xi32>
          %convert_element_type3A_133 = arith.sitofp %convert_element_type3A_132 : vector<1x256xi32> to vector<1x256xf32>
          %mul3A_134 = arith.mulf %get3A_14, %convert_element_type3A_133 : vector<1x256xf32>
          %reduce_sum3A_135 = vector.shape_cast %mul3A_134 : vector<1x256xf32> to vector<1x1x256xf32>
          %reduce_sum3A_136 = arith.constant dense<0.000000e+00> : vector<1xf32>
          %reduce_sum3A_137 = vector.multi_reduction <add>, %reduce_sum3A_135, %reduce_sum3A_136 [1, 2] : vector<1x1x256xf32> to vector<1xf32>
          %reduce_sum3A_138 = vector.shape_cast %reduce_sum3A_137 : vector<1xf32> to vector<1x1x1xf32>
          %reduce_sum3A_139 = vector.extract %reduce_sum3A_138[0, 0, 0] : f32 from vector<1x1x1xf32>
          %reduce_sum3A_140 = vector.shape_cast %while3A_112 : vector<1x256xf32> to vector<1x1x256xf32>
          %reduce_sum3A_141 = arith.constant dense<0.000000e+00> : vector<1xf32>
          %reduce_sum3A_142 = vector.multi_reduction <add>, %reduce_sum3A_140, %reduce_sum3A_141 [1, 2] : vector<1x1x256xf32> to vector<1xf32>
          %reduce_sum3A_143 = vector.shape_cast %reduce_sum3A_142 : vector<1xf32> to vector<1x1x1xf32>
          %reduce_sum3A_144 = vector.extract %reduce_sum3A_143[0, 0, 0] : f32 from vector<1x1x1xf32>
          %lt3A_145 = arith.cmpf olt, %reduce_sum3A_139, %reduce_sum3A_144 : f32
          scf.yield %mul3A_134, %lt3A_145 : vector<1x256xf32>, i1
        }
        %swap3A_73 = arith.index_cast %scan3A_11 : i32 to index
        %swap3A_74 = arith.constant 0 : index
        %swap3A_75 = vector.load %arg6[%swap3A_73, %swap3A_74] : memref<79x256xf32, #tpu.memory_space<vmem>>, vector<1x256xf32>
        tpu.vector_store %arg6[%swap3A_73, %swap3A_74], %while3A_72#0 {strides = array<i32>} : memref<79x256xf32, #tpu.memory_space<vmem>>, vector<1x256xf32>,
        %broadcast_in_dim3A = vector.shape_cast %while3A_72#0 : vector<1x256xf32> to vector<1x256xf32>
        %broadcast_in_dim3A_76 = vector.broadcast %broadcast_in_dim3A : vector<1x256xf32> to vector<8x256xf32>
        %convert_element_type3A_77 = arith.truncf %broadcast_in_dim3A_76 : vector<8x256xf32> to vector<8x256xbf16>
        %sub3A_78 = arith.constant 79 : i32
        %sub3A_79 = arith.subi %sub3A_78, %scan3A_11 : i32
        %add3A_80 = arith.constant 2 : i32
        %add3A_81 = arith.addi %sub3A_79, %add3A_80 : i32
        %jit3A = arith.constant 4 : i32
        %div3A_82 = arith.divsi %add3A_81, %jit3A : i32
        %sign3A = arith.constant 0 : i32
        %sign3A_83 = arith.cmpi sgt, %add3A_81, %sign3A : i32
        %sign3A_84 = arith.extui %sign3A_83 : i1 to i32
        %sign3A_85 = arith.constant 0 : i32
        %sign3A_86 = arith.cmpi slt, %add3A_81, %sign3A_85 : i32
        %sign3A_87 = arith.extui %sign3A_86 : i1 to i32
        %sign3A_88 = arith.subi %sign3A_84, %sign3A_87 : i32
        %sign3A_89 = arith.constant 0 : i32
        %sign3A_90 = arith.cmpi sgt, %jit3A, %sign3A_89 : i32
        %sign3A_91 = arith.extui %sign3A_90 : i1 to i32
        %sign3A_92 = arith.constant 0 : i32
        %sign3A_93 = arith.cmpi slt, %jit3A, %sign3A_92 : i32
        %sign3A_94 = arith.extui %sign3A_93 : i1 to i32
        %sign3A_95 = arith.subi %sign3A_91, %sign3A_94 : i32
        %ne3A = arith.cmpi ne, %sign3A_88, %sign3A_95 : i32
        %rem3A = arith.remsi %add3A_81, %jit3A : i32
        %ne3A_96 = arith.constant 0 : i32
        %ne3A_97 = arith.cmpi ne, %rem3A, %ne3A_96 : i32
        %and3A = arith.andi %ne3A, %ne3A_97 : i1
        %sub3A_98 = arith.constant 1 : i32
        %sub3A_99 = arith.subi %div3A_82, %sub3A_98 : i32
        %select_n3A = arith.select %and3A, %sub3A_99, %div3A_82 : i32
        %while3A_100 = arith.constant 0 : i32
        %while3A_101 = arith.constant 0 : i32
        %while3A_102 = arith.subi %select_n3A, %while3A_100 : i32
        %while3A_103 = arith.addi %while3A_100, %while3A_102 : i32
        %while3A_104 = arith.constant 1 : i32
        %while3A_105 = arith.divsi %while3A_102, %while3A_104 : i32
        %while3A_106 = arith.muli %while3A_105, %while3A_104 : i32
        %while3A_107 = arith.addi %while3A_100, %while3A_106 : i32
        %while3A_108 = arith.constant 1 : i32
        %while3A_109 = scf.for %while3A_112 = %while3A_100 to %while3A_107 step %while3A_108 iter_args(%while3A_113 = %while3A_101) -> (i32)  : i32 {
          %add3A_114 = arith.constant 1 : i32
          %add3A_115 = arith.addi %scan3A_11, %add3A_114 : i32
          %mul3A_116 = arith.constant 4 : i32
          %mul3A_117 = arith.muli %mul3A_116, %while3A_112 : i32
          %add3A_118 = arith.addi %add3A_115, %mul3A_117 : i32
          %get3A_119 = arith.index_cast %add3A_118 : i32 to index
          %get3A_120 = arith.constant 0 : index
          %get3A_121 = vector.load %arg0[%get3A_119, %get3A_120] : memref<79x256xf32, #tpu.memory_space<vmem>>, vector<1x256xf32>
          %get3A_122 = arith.index_cast %add3A_118 : i32 to index
          %get3A_123 = arith.constant 0 : index
          %get3A_124 = vector.load %arg1[%get3A_122, %get3A_123] : memref<79x256xf32, #tpu.memory_space<vmem>>, vector<1x256xf32>
          %get3A_125 = arith.index_cast %add3A_118 : i32 to index
          %get3A_126 = arith.constant 0 : index
          %get3A_127 = vector.load %arg2[%get3A_125, %get3A_126] : memref<79x256xf32, #tpu.memory_space<vmem>>, vector<1x256xf32>
          %get3A_128 = arith.index_cast %add3A_118 : i32 to index
          %get3A_129 = arith.constant 0 : index
          %get3A_130 = vector.load %arg3[%get3A_128, %get3A_129] : memref<79x256xf32, #tpu.memory_space<vmem>>, vector<1x256xf32>
          %get3A_131 = arith.index_cast %add3A_118 : i32 to index
          %get3A_132 = arith.constant 0 : index
          %get3A_133 = vector.load %arg4[%get3A_131, %get3A_132] : memref<79x256xf32, #tpu.memory_space<vmem>>, vector<1x256xf32>
          %max3A_134 = vector.broadcast %transpose3A : vector<256x1xf32> to vector<256x256xf32>
          %max3A_135 = vector.broadcast %get3A_121 : vector<1x256xf32> to vector<256x256xf32>
          %max3A_136 = arith.maximumf %max3A_134, %max3A_135 : vector<256x256xf32>
          %max3A_137 = vector.broadcast %transpose3A_38 : vector<256x1xf32> to vector<256x256xf32>
          %max3A_138 = vector.broadcast %get3A_124 : vector<1x256xf32> to vector<256x256xf32>
          %max3A_139 = arith.maximumf %max3A_137, %max3A_138 : vector<256x256xf32>
          %min3A_140 = vector.broadcast %transpose3A_39 : vector<256x1xf32> to vector<256x256xf32>
          %min3A_141 = vector.broadcast %get3A_127 : vector<1x256xf32> to vector<256x256xf32>
          %min3A_142 = arith.minimumf %min3A_140, %min3A_141 : vector<256x256xf32>
          %min3A_143 = vector.broadcast %transpose3A_40 : vector<256x1xf32> to vector<256x256xf32>
          %min3A_144 = vector.broadcast %get3A_130 : vector<1x256xf32> to vector<256x256xf32>
          %min3A_145 = arith.minimumf %min3A_143, %min3A_144 : vector<256x256xf32>
          %sub3A_146 = arith.subf %min3A_142, %max3A_136 : vector<256x256xf32>
          %max3A_147 = arith.constant 0.000000e+00 : f32
          %max3A_148 = vector.broadcast %max3A_147 : f32 to vector<256x256xf32>
          %max3A_149 = arith.maximumf %sub3A_146, %max3A_148 : vector<256x256xf32>
          %sub3A_150 = arith.subf %min3A_145, %max3A_139 : vector<256x256xf32>
          %max3A_151 = arith.constant 0.000000e+00 : f32
          %max3A_152 = vector.broadcast %max3A_151 : f32 to vector<256x256xf32>
          %max3A_153 = arith.maximumf %sub3A_150, %max3A_152 : vector<256x256xf32>
          %mul3A_154 = arith.mulf %max3A_149, %max3A_153 : vector<256x256xf32>
          %add3A_155 = vector.broadcast %transpose3A_41 : vector<256x1xf32> to vector<256x256xf32>
          %add3A_156 = vector.broadcast %get3A_133 : vector<1x256xf32> to vector<256x256xf32>
          %add3A_157 = arith.addf %add3A_155, %add3A_156 : vector<256x256xf32>
          %sub3A_158 = arith.subf %add3A_157, %mul3A_154 : vector<256x256xf32>
          %max3A_159 = arith.constant 9.99999996E-13 : f32
          %max3A_160 = vector.broadcast %max3A_159 : f32 to vector<256x256xf32>
          %max3A_161 = arith.maximumf %sub3A_158, %max3A_160 : vector<256x256xf32>
          %div3A_162 = arith.divf %mul3A_154, %max3A_161 : vector<256x256xf32>
          %gt3A_163 = arith.constant 5.000000e-01 : f32
          %gt3A_164 = vector.broadcast %gt3A_163 : f32 to vector<256x256xf32>
          %gt3A_165 = arith.cmpf ogt, %div3A_162, %gt3A_164 : vector<256x256xf32>
          %convert_element_type3A_166 = arith.extui %gt3A_165 : vector<256x256xi1> to vector<256x256xi32>
          %convert_element_type3A_167 = arith.sitofp %convert_element_type3A_166 : vector<256x256xi32> to vector<256x256xf32>
          %convert_element_type3A_168 = arith.truncf %convert_element_type3A_167 : vector<256x256xf32> to vector<256x256xbf16>
          %dot_general3A = arith.constant dense<0.000000e+00> : vector<8x256xf32>
          %dot_general3A_169 = tpu.matmul %convert_element_type3A_77, %convert_element_type3A_168, %dot_general3A {dimension_numbers = #tpu.dot_dimension_numbers<[1], [0], [0], [1], [0, 0, 1, 1], [], []>, transpose_lhs_hint = false} : vector<8x256xbf16>, vector<256x256xbf16>, vector<8x256xf32> -> vector<8x256xf32>
          %slice3A = vector.extract_strided_slice %dot_general3A_169 {offsets = [0, 0], sizes = [1, 256], strides = [1, 1]} : vector<8x256xf32> to vector<1x256xf32>
          %lt3A = arith.constant 5.000000e-01 : f32
          %lt3A_170 = vector.broadcast %lt3A : f32 to vector<1x256xf32>
          %lt3A_171 = arith.cmpf olt, %slice3A, %lt3A_170 : vector<1x256xf32>
          %convert_element_type3A_172 = arith.extui %lt3A_171 : vector<1x256xi1> to vector<1x256xi32>
          %convert_element_type3A_173 = arith.sitofp %convert_element_type3A_172 : vector<1x256xi32> to vector<1x256xf32>
          %get3A_174 = arith.index_cast %add3A_118 : i32 to index
          %get3A_175 = arith.constant 0 : index
          %get3A_176 = vector.load %arg6[%get3A_174, %get3A_175] : memref<79x256xf32, #tpu.memory_space<vmem>>, vector<1x256xf32>
          %mul3A_177 = arith.mulf %get3A_176, %convert_element_type3A_173 : vector<1x256xf32>
          %swap3A_178 = arith.index_cast %add3A_118 : i32 to index
          %swap3A_179 = arith.constant 0 : index
          %swap3A_180 = vector.load %arg6[%swap3A_178, %swap3A_179] : memref<79x256xf32, #tpu.memory_space<vmem>>, vector<1x256xf32>
          tpu.vector_store %arg6[%swap3A_178, %swap3A_179], %mul3A_177 {strides = array<i32>} : memref<79x256xf32, #tpu.memory_space<vmem>>, vector<1x256xf32>,
          %add3A_181 = arith.constant 1 : i32
          %add3A_182 = arith.addi %add3A_118, %add3A_181 : i32
          %min3A_183 = arith.constant 78 : i32
          %min3A_184 = arith.minsi %add3A_182, %min3A_183 : i32
          %get3A_185 = arith.index_cast %min3A_184 : i32 to index
          %get3A_186 = arith.constant 0 : index
          %get3A_187 = vector.load %arg0[%get3A_185, %get3A_186] : memref<79x256xf32, #tpu.memory_space<vmem>>, vector<1x256xf32>
          %get3A_188 = arith.index_cast %min3A_184 : i32 to index
          %get3A_189 = arith.constant 0 : index
          %get3A_190 = vector.load %arg1[%get3A_188, %get3A_189] : memref<79x256xf32, #tpu.memory_space<vmem>>, vector<1x256xf32>
          %get3A_191 = arith.index_cast %min3A_184 : i32 to index
          %get3A_192 = arith.constant 0 : index
          %get3A_193 = vector.load %arg2[%get3A_191, %get3A_192] : memref<79x256xf32, #tpu.memory_space<vmem>>, vector<1x256xf32>
          %get3A_194 = arith.index_cast %min3A_184 : i32 to index
          %get3A_195 = arith.constant 0 : index
          %get3A_196 = vector.load %arg3[%get3A_194, %get3A_195] : memref<79x256xf32, #tpu.memory_space<vmem>>, vector<1x256xf32>
          %get3A_197 = arith.index_cast %min3A_184 : i32 to index
          %get3A_198 = arith.constant 0 : index
          %get3A_199 = vector.load %arg4[%get3A_197, %get3A_198] : memref<79x256xf32, #tpu.memory_space<vmem>>, vector<1x256xf32>
          %max3A_200 = vector.broadcast %transpose3A : vector<256x1xf32> to vector<256x256xf32>
          %max3A_201 = vector.broadcast %get3A_187 : vector<1x256xf32> to vector<256x256xf32>
          %max3A_202 = arith.maximumf %max3A_200, %max3A_201 : vector<256x256xf32>
          %max3A_203 = vector.broadcast %transpose3A_38 : vector<256x1xf32> to vector<256x256xf32>
          %max3A_204 = vector.broadcast %get3A_190 : vector<1x256xf32> to vector<256x256xf32>
          %max3A_205 = arith.maximumf %max3A_203, %max3A_204 : vector<256x256xf32>
          %min3A_206 = vector.broadcast %transpose3A_39 : vector<256x1xf32> to vector<256x256xf32>
          %min3A_207 = vector.broadcast %get3A_193 : vector<1x256xf32> to vector<256x256xf32>
          %min3A_208 = arith.minimumf %min3A_206, %min3A_207 : vector<256x256xf32>
          %min3A_209 = vector.broadcast %transpose3A_40 : vector<256x1xf32> to vector<256x256xf32>
          %min3A_210 = vector.broadcast %get3A_196 : vector<1x256xf32> to vector<256x256xf32>
          %min3A_211 = arith.minimumf %min3A_209, %min3A_210 : vector<256x256xf32>
          %sub3A_212 = arith.subf %min3A_208, %max3A_202 : vector<256x256xf32>
          %max3A_213 = arith.constant 0.000000e+00 : f32
          %max3A_214 = vector.broadcast %max3A_213 : f32 to vector<256x256xf32>
          %max3A_215 = arith.maximumf %sub3A_212, %max3A_214 : vector<256x256xf32>
          %sub3A_216 = arith.subf %min3A_211, %max3A_205 : vector<256x256xf32>
          %max3A_217 = arith.constant 0.000000e+00 : f32
          %max3A_218 = vector.broadcast %max3A_217 : f32 to vector<256x256xf32>
          %max3A_219 = arith.maximumf %sub3A_216, %max3A_218 : vector<256x256xf32>
          %mul3A_220 = arith.mulf %max3A_215, %max3A_219 : vector<256x256xf32>
          %add3A_221 = vector.broadcast %transpose3A_41 : vector<256x1xf32> to vector<256x256xf32>
          %add3A_222 = vector.broadcast %get3A_199 : vector<1x256xf32> to vector<256x256xf32>
          %add3A_223 = arith.addf %add3A_221, %add3A_222 : vector<256x256xf32>
          %sub3A_224 = arith.subf %add3A_223, %mul3A_220 : vector<256x256xf32>
          %max3A_225 = arith.constant 9.99999996E-13 : f32
          %max3A_226 = vector.broadcast %max3A_225 : f32 to vector<256x256xf32>
          %max3A_227 = arith.maximumf %sub3A_224, %max3A_226 : vector<256x256xf32>
          %div3A_228 = arith.divf %mul3A_220, %max3A_227 : vector<256x256xf32>
          %gt3A_229 = arith.constant 5.000000e-01 : f32
          %gt3A_230 = vector.broadcast %gt3A_229 : f32 to vector<256x256xf32>
          %gt3A_231 = arith.cmpf ogt, %div3A_228, %gt3A_230 : vector<256x256xf32>
          %convert_element_type3A_232 = arith.extui %gt3A_231 : vector<256x256xi1> to vector<256x256xi32>
          %convert_element_type3A_233 = arith.sitofp %convert_element_type3A_232 : vector<256x256xi32> to vector<256x256xf32>
          %convert_element_type3A_234 = arith.truncf %convert_element_type3A_233 : vector<256x256xf32> to vector<256x256xbf16>
          %dot_general3A_235 = arith.constant dense<0.000000e+00> : vector<8x256xf32>
          %dot_general3A_236 = tpu.matmul %convert_element_type3A_77, %convert_element_type3A_234, %dot_general3A_235 {dimension_numbers = #tpu.dot_dimension_numbers<[1], [0], [0], [1], [0, 0, 1, 1], [], []>, transpose_lhs_hint = false} : vector<8x256xbf16>, vector<256x256xbf16>, vector<8x256xf32> -> vector<8x256xf32>
          %slice3A_237 = vector.extract_strided_slice %dot_general3A_236 {offsets = [0, 0], sizes = [1, 256], strides = [1, 1]} : vector<8x256xf32> to vector<1x256xf32>
          %lt3A_238 = arith.constant 5.000000e-01 : f32
          %lt3A_239 = vector.broadcast %lt3A_238 : f32 to vector<1x256xf32>
          %lt3A_240 = arith.cmpf olt, %slice3A_237, %lt3A_239 : vector<1x256xf32>
          %convert_element_type3A_241 = arith.extui %lt3A_240 : vector<1x256xi1> to vector<1x256xi32>
          %convert_element_type3A_242 = arith.sitofp %convert_element_type3A_241 : vector<1x256xi32> to vector<1x256xf32>
          %get3A_243 = arith.index_cast %min3A_184 : i32 to index
          %get3A_244 = arith.constant 0 : index
          %get3A_245 = vector.load %arg6[%get3A_243, %get3A_244] : memref<79x256xf32, #tpu.memory_space<vmem>>, vector<1x256xf32>
          %mul3A_246 = arith.mulf %get3A_245, %convert_element_type3A_242 : vector<1x256xf32>
          %swap3A_247 = arith.index_cast %min3A_184 : i32 to index
          %swap3A_248 = arith.constant 0 : index
          %swap3A_249 = vector.load %arg6[%swap3A_247, %swap3A_248] : memref<79x256xf32, #tpu.memory_space<vmem>>, vector<1x256xf32>
          tpu.vector_store %arg6[%swap3A_247, %swap3A_248], %mul3A_246 {strides = array<i32>} : memref<79x256xf32, #tpu.memory_space<vmem>>, vector<1x256xf32>,
          %add3A_250 = arith.constant 2 : i32
          %add3A_251 = arith.addi %add3A_118, %add3A_250 : i32
          %min3A_252 = arith.constant 78 : i32
          %min3A_253 = arith.minsi %add3A_251, %min3A_252 : i32
          %get3A_254 = arith.index_cast %min3A_253 : i32 to index
          %get3A_255 = arith.constant 0 : index
          %get3A_256 = vector.load %arg0[%get3A_254, %get3A_255] : memref<79x256xf32, #tpu.memory_space<vmem>>, vector<1x256xf32>
          %get3A_257 = arith.index_cast %min3A_253 : i32 to index
          %get3A_258 = arith.constant 0 : index
          %get3A_259 = vector.load %arg1[%get3A_257, %get3A_258] : memref<79x256xf32, #tpu.memory_space<vmem>>, vector<1x256xf32>
          %get3A_260 = arith.index_cast %min3A_253 : i32 to index
          %get3A_261 = arith.constant 0 : index
          %get3A_262 = vector.load %arg2[%get3A_260, %get3A_261] : memref<79x256xf32, #tpu.memory_space<vmem>>, vector<1x256xf32>
          %get3A_263 = arith.index_cast %min3A_253 : i32 to index
          %get3A_264 = arith.constant 0 : index
          %get3A_265 = vector.load %arg3[%get3A_263, %get3A_264] : memref<79x256xf32, #tpu.memory_space<vmem>>, vector<1x256xf32>
          %get3A_266 = arith.index_cast %min3A_253 : i32 to index
          %get3A_267 = arith.constant 0 : index
          %get3A_268 = vector.load %arg4[%get3A_266, %get3A_267] : memref<79x256xf32, #tpu.memory_space<vmem>>, vector<1x256xf32>
          %max3A_269 = vector.broadcast %transpose3A : vector<256x1xf32> to vector<256x256xf32>
          %max3A_270 = vector.broadcast %get3A_256 : vector<1x256xf32> to vector<256x256xf32>
          %max3A_271 = arith.maximumf %max3A_269, %max3A_270 : vector<256x256xf32>
          %max3A_272 = vector.broadcast %transpose3A_38 : vector<256x1xf32> to vector<256x256xf32>
          %max3A_273 = vector.broadcast %get3A_259 : vector<1x256xf32> to vector<256x256xf32>
          %max3A_274 = arith.maximumf %max3A_272, %max3A_273 : vector<256x256xf32>
          %min3A_275 = vector.broadcast %transpose3A_39 : vector<256x1xf32> to vector<256x256xf32>
          %min3A_276 = vector.broadcast %get3A_262 : vector<1x256xf32> to vector<256x256xf32>
          %min3A_277 = arith.minimumf %min3A_275, %min3A_276 : vector<256x256xf32>
          %min3A_278 = vector.broadcast %transpose3A_40 : vector<256x1xf32> to vector<256x256xf32>
          %min3A_279 = vector.broadcast %get3A_265 : vector<1x256xf32> to vector<256x256xf32>
          %min3A_280 = arith.minimumf %min3A_278, %min3A_279 : vector<256x256xf32>
          %sub3A_281 = arith.subf %min3A_277, %max3A_271 : vector<256x256xf32>
          %max3A_282 = arith.constant 0.000000e+00 : f32
          %max3A_283 = vector.broadcast %max3A_282 : f32 to vector<256x256xf32>
          %max3A_284 = arith.maximumf %sub3A_281, %max3A_283 : vector<256x256xf32>
          %sub3A_285 = arith.subf %min3A_280, %max3A_274 : vector<256x256xf32>
          %max3A_286 = arith.constant 0.000000e+00 : f32
          %max3A_287 = vector.broadcast %max3A_286 : f32 to vector<256x256xf32>
          %max3A_288 = arith.maximumf %sub3A_285, %max3A_287 : vector<256x256xf32>
          %mul3A_289 = arith.mulf %max3A_284, %max3A_288 : vector<256x256xf32>
          %add3A_290 = vector.broadcast %transpose3A_41 : vector<256x1xf32> to vector<256x256xf32>
          %add3A_291 = vector.broadcast %get3A_268 : vector<1x256xf32> to vector<256x256xf32>
          %add3A_292 = arith.addf %add3A_290, %add3A_291 : vector<256x256xf32>
          %sub3A_293 = arith.subf %add3A_292, %mul3A_289 : vector<256x256xf32>
          %max3A_294 = arith.constant 9.99999996E-13 : f32
          %max3A_295 = vector.broadcast %max3A_294 : f32 to vector<256x256xf32>
          %max3A_296 = arith.maximumf %sub3A_293, %max3A_295 : vector<256x256xf32>
          %div3A_297 = arith.divf %mul3A_289, %max3A_296 : vector<256x256xf32>
          %gt3A_298 = arith.constant 5.000000e-01 : f32
          %gt3A_299 = vector.broadcast %gt3A_298 : f32 to vector<256x256xf32>
          %gt3A_300 = arith.cmpf ogt, %div3A_297, %gt3A_299 : vector<256x256xf32>
          %convert_element_type3A_301 = arith.extui %gt3A_300 : vector<256x256xi1> to vector<256x256xi32>
          %convert_element_type3A_302 = arith.sitofp %convert_element_type3A_301 : vector<256x256xi32> to vector<256x256xf32>
          %convert_element_type3A_303 = arith.truncf %convert_element_type3A_302 : vector<256x256xf32> to vector<256x256xbf16>
          %dot_general3A_304 = arith.constant dense<0.000000e+00> : vector<8x256xf32>
          %dot_general3A_305 = tpu.matmul %convert_element_type3A_77, %convert_element_type3A_303, %dot_general3A_304 {dimension_numbers = #tpu.dot_dimension_numbers<[1], [0], [0], [1], [0, 0, 1, 1], [], []>, transpose_lhs_hint = false} : vector<8x256xbf16>, vector<256x256xbf16>, vector<8x256xf32> -> vector<8x256xf32>
          %slice3A_306 = vector.extract_strided_slice %dot_general3A_305 {offsets = [0, 0], sizes = [1, 256], strides = [1, 1]} : vector<8x256xf32> to vector<1x256xf32>
          %lt3A_307 = arith.constant 5.000000e-01 : f32
          %lt3A_308 = vector.broadcast %lt3A_307 : f32 to vector<1x256xf32>
          %lt3A_309 = arith.cmpf olt, %slice3A_306, %lt3A_308 : vector<1x256xf32>
          %convert_element_type3A_310 = arith.extui %lt3A_309 : vector<1x256xi1> to vector<1x256xi32>
          %convert_element_type3A_311 = arith.sitofp %convert_element_type3A_310 : vector<1x256xi32> to vector<1x256xf32>
          %get3A_312 = arith.index_cast %min3A_253 : i32 to index
          %get3A_313 = arith.constant 0 : index
          %get3A_314 = vector.load %arg6[%get3A_312, %get3A_313] : memref<79x256xf32, #tpu.memory_space<vmem>>, vector<1x256xf32>
          %mul3A_315 = arith.mulf %get3A_314, %convert_element_type3A_311 : vector<1x256xf32>
          %swap3A_316 = arith.index_cast %min3A_253 : i32 to index
          %swap3A_317 = arith.constant 0 : index
          %swap3A_318 = vector.load %arg6[%swap3A_316, %swap3A_317] : memref<79x256xf32, #tpu.memory_space<vmem>>, vector<1x256xf32>
          tpu.vector_store %arg6[%swap3A_316, %swap3A_317], %mul3A_315 {strides = array<i32>} : memref<79x256xf32, #tpu.memory_space<vmem>>, vector<1x256xf32>,
          %add3A_319 = arith.constant 3 : i32
          %add3A_320 = arith.addi %add3A_118, %add3A_319 : i32
          %min3A_321 = arith.constant 78 : i32
          %min3A_322 = arith.minsi %add3A_320, %min3A_321 : i32
          %get3A_323 = arith.index_cast %min3A_322 : i32 to index
          %get3A_324 = arith.constant 0 : index
          %get3A_325 = vector.load %arg0[%get3A_323, %get3A_324] : memref<79x256xf32, #tpu.memory_space<vmem>>, vector<1x256xf32>
          %get3A_326 = arith.index_cast %min3A_322 : i32 to index
          %get3A_327 = arith.constant 0 : index
          %get3A_328 = vector.load %arg1[%get3A_326, %get3A_327] : memref<79x256xf32, #tpu.memory_space<vmem>>, vector<1x256xf32>
          %get3A_329 = arith.index_cast %min3A_322 : i32 to index
          %get3A_330 = arith.constant 0 : index
          %get3A_331 = vector.load %arg2[%get3A_329, %get3A_330] : memref<79x256xf32, #tpu.memory_space<vmem>>, vector<1x256xf32>
          %get3A_332 = arith.index_cast %min3A_322 : i32 to index
          %get3A_333 = arith.constant 0 : index
          %get3A_334 = vector.load %arg3[%get3A_332, %get3A_333] : memref<79x256xf32, #tpu.memory_space<vmem>>, vector<1x256xf32>
          %get3A_335 = arith.index_cast %min3A_322 : i32 to index
          %get3A_336 = arith.constant 0 : index
          %get3A_337 = vector.load %arg4[%get3A_335, %get3A_336] : memref<79x256xf32, #tpu.memory_space<vmem>>, vector<1x256xf32>
          %max3A_338 = vector.broadcast %transpose3A : vector<256x1xf32> to vector<256x256xf32>
          %max3A_339 = vector.broadcast %get3A_325 : vector<1x256xf32> to vector<256x256xf32>
          %max3A_340 = arith.maximumf %max3A_338, %max3A_339 : vector<256x256xf32>
          %max3A_341 = vector.broadcast %transpose3A_38 : vector<256x1xf32> to vector<256x256xf32>
          %max3A_342 = vector.broadcast %get3A_328 : vector<1x256xf32> to vector<256x256xf32>
          %max3A_343 = arith.maximumf %max3A_341, %max3A_342 : vector<256x256xf32>
          %min3A_344 = vector.broadcast %transpose3A_39 : vector<256x1xf32> to vector<256x256xf32>
          %min3A_345 = vector.broadcast %get3A_331 : vector<1x256xf32> to vector<256x256xf32>
          %min3A_346 = arith.minimumf %min3A_344, %min3A_345 : vector<256x256xf32>
          %min3A_347 = vector.broadcast %transpose3A_40 : vector<256x1xf32> to vector<256x256xf32>
          %min3A_348 = vector.broadcast %get3A_334 : vector<1x256xf32> to vector<256x256xf32>
          %min3A_349 = arith.minimumf %min3A_347, %min3A_348 : vector<256x256xf32>
          %sub3A_350 = arith.subf %min3A_346, %max3A_340 : vector<256x256xf32>
          %max3A_351 = arith.constant 0.000000e+00 : f32
          %max3A_352 = vector.broadcast %max3A_351 : f32 to vector<256x256xf32>
          %max3A_353 = arith.maximumf %sub3A_350, %max3A_352 : vector<256x256xf32>
          %sub3A_354 = arith.subf %min3A_349, %max3A_343 : vector<256x256xf32>
          %max3A_355 = arith.constant 0.000000e+00 : f32
          %max3A_356 = vector.broadcast %max3A_355 : f32 to vector<256x256xf32>
          %max3A_357 = arith.maximumf %sub3A_354, %max3A_356 : vector<256x256xf32>
          %mul3A_358 = arith.mulf %max3A_353, %max3A_357 : vector<256x256xf32>
          %add3A_359 = vector.broadcast %transpose3A_41 : vector<256x1xf32> to vector<256x256xf32>
          %add3A_360 = vector.broadcast %get3A_337 : vector<1x256xf32> to vector<256x256xf32>
          %add3A_361 = arith.addf %add3A_359, %add3A_360 : vector<256x256xf32>
          %sub3A_362 = arith.subf %add3A_361, %mul3A_358 : vector<256x256xf32>
          %max3A_363 = arith.constant 9.99999996E-13 : f32
          %max3A_364 = vector.broadcast %max3A_363 : f32 to vector<256x256xf32>
          %max3A_365 = arith.maximumf %sub3A_362, %max3A_364 : vector<256x256xf32>
          %div3A_366 = arith.divf %mul3A_358, %max3A_365 : vector<256x256xf32>
          %gt3A_367 = arith.constant 5.000000e-01 : f32
          %gt3A_368 = vector.broadcast %gt3A_367 : f32 to vector<256x256xf32>
          %gt3A_369 = arith.cmpf ogt, %div3A_366, %gt3A_368 : vector<256x256xf32>
          %convert_element_type3A_370 = arith.extui %gt3A_369 : vector<256x256xi1> to vector<256x256xi32>
          %convert_element_type3A_371 = arith.sitofp %convert_element_type3A_370 : vector<256x256xi32> to vector<256x256xf32>
          %convert_element_type3A_372 = arith.truncf %convert_element_type3A_371 : vector<256x256xf32> to vector<256x256xbf16>
          %dot_general3A_373 = arith.constant dense<0.000000e+00> : vector<8x256xf32>
          %dot_general3A_374 = tpu.matmul %convert_element_type3A_77, %convert_element_type3A_372, %dot_general3A_373 {dimension_numbers = #tpu.dot_dimension_numbers<[1], [0], [0], [1], [0, 0, 1, 1], [], []>, transpose_lhs_hint = false} : vector<8x256xbf16>, vector<256x256xbf16>, vector<8x256xf32> -> vector<8x256xf32>
          %slice3A_375 = vector.extract_strided_slice %dot_general3A_374 {offsets = [0, 0], sizes = [1, 256], strides = [1, 1]} : vector<8x256xf32> to vector<1x256xf32>
          %lt3A_376 = arith.constant 5.000000e-01 : f32
          %lt3A_377 = vector.broadcast %lt3A_376 : f32 to vector<1x256xf32>
          %lt3A_378 = arith.cmpf olt, %slice3A_375, %lt3A_377 : vector<1x256xf32>
          %convert_element_type3A_379 = arith.extui %lt3A_378 : vector<1x256xi1> to vector<1x256xi32>
          %convert_element_type3A_380 = arith.sitofp %convert_element_type3A_379 : vector<1x256xi32> to vector<1x256xf32>
          %get3A_381 = arith.index_cast %min3A_322 : i32 to index
          %get3A_382 = arith.constant 0 : index
          %get3A_383 = vector.load %arg6[%get3A_381, %get3A_382] : memref<79x256xf32, #tpu.memory_space<vmem>>, vector<1x256xf32>
          %mul3A_384 = arith.mulf %get3A_383, %convert_element_type3A_380 : vector<1x256xf32>
          %swap3A_385 = arith.index_cast %min3A_322 : i32 to index
          %swap3A_386 = arith.constant 0 : index
          %swap3A_387 = vector.load %arg6[%swap3A_385, %swap3A_386] : memref<79x256xf32, #tpu.memory_space<vmem>>, vector<1x256xf32>
          tpu.vector_store %arg6[%swap3A_385, %swap3A_386], %mul3A_384 {strides = array<i32>} : memref<79x256xf32, #tpu.memory_space<vmem>>, vector<1x256xf32>,
          %while3A_388 = arith.constant 0 : i32
          scf.yield %while3A_388 : i32
        }
        %while3A_110 = arith.constant 1 : i32
        %while3A_111 = scf.for %while3A_112 = %while3A_107 to %while3A_103 step %while3A_110 iter_args(%while3A_113 = %while3A_109) -> (i32)  : i32 {
          %add3A_114 = arith.constant 1 : i32
          %add3A_115 = arith.addi %scan3A_11, %add3A_114 : i32
          %mul3A_116 = arith.constant 4 : i32
          %mul3A_117 = arith.muli %mul3A_116, %while3A_112 : i32
          %add3A_118 = arith.addi %add3A_115, %mul3A_117 : i32
          %get3A_119 = arith.index_cast %add3A_118 : i32 to index
          %get3A_120 = arith.constant 0 : index
          %get3A_121 = vector.load %arg0[%get3A_119, %get3A_120] : memref<79x256xf32, #tpu.memory_space<vmem>>, vector<1x256xf32>
          %get3A_122 = arith.index_cast %add3A_118 : i32 to index
          %get3A_123 = arith.constant 0 : index
          %get3A_124 = vector.load %arg1[%get3A_122, %get3A_123] : memref<79x256xf32, #tpu.memory_space<vmem>>, vector<1x256xf32>
          %get3A_125 = arith.index_cast %add3A_118 : i32 to index
          %get3A_126 = arith.constant 0 : index
          %get3A_127 = vector.load %arg2[%get3A_125, %get3A_126] : memref<79x256xf32, #tpu.memory_space<vmem>>, vector<1x256xf32>
          %get3A_128 = arith.index_cast %add3A_118 : i32 to index
          %get3A_129 = arith.constant 0 : index
          %get3A_130 = vector.load %arg3[%get3A_128, %get3A_129] : memref<79x256xf32, #tpu.memory_space<vmem>>, vector<1x256xf32>
          %get3A_131 = arith.index_cast %add3A_118 : i32 to index
          %get3A_132 = arith.constant 0 : index
          %get3A_133 = vector.load %arg4[%get3A_131, %get3A_132] : memref<79x256xf32, #tpu.memory_space<vmem>>, vector<1x256xf32>
          %max3A_134 = vector.broadcast %transpose3A : vector<256x1xf32> to vector<256x256xf32>
          %max3A_135 = vector.broadcast %get3A_121 : vector<1x256xf32> to vector<256x256xf32>
          %max3A_136 = arith.maximumf %max3A_134, %max3A_135 : vector<256x256xf32>
          %max3A_137 = vector.broadcast %transpose3A_38 : vector<256x1xf32> to vector<256x256xf32>
          %max3A_138 = vector.broadcast %get3A_124 : vector<1x256xf32> to vector<256x256xf32>
          %max3A_139 = arith.maximumf %max3A_137, %max3A_138 : vector<256x256xf32>
          %min3A_140 = vector.broadcast %transpose3A_39 : vector<256x1xf32> to vector<256x256xf32>
          %min3A_141 = vector.broadcast %get3A_127 : vector<1x256xf32> to vector<256x256xf32>
          %min3A_142 = arith.minimumf %min3A_140, %min3A_141 : vector<256x256xf32>
          %min3A_143 = vector.broadcast %transpose3A_40 : vector<256x1xf32> to vector<256x256xf32>
          %min3A_144 = vector.broadcast %get3A_130 : vector<1x256xf32> to vector<256x256xf32>
          %min3A_145 = arith.minimumf %min3A_143, %min3A_144 : vector<256x256xf32>
          %sub3A_146 = arith.subf %min3A_142, %max3A_136 : vector<256x256xf32>
          %max3A_147 = arith.constant 0.000000e+00 : f32
          %max3A_148 = vector.broadcast %max3A_147 : f32 to vector<256x256xf32>
          %max3A_149 = arith.maximumf %sub3A_146, %max3A_148 : vector<256x256xf32>
          %sub3A_150 = arith.subf %min3A_145, %max3A_139 : vector<256x256xf32>
          %max3A_151 = arith.constant 0.000000e+00 : f32
          %max3A_152 = vector.broadcast %max3A_151 : f32 to vector<256x256xf32>
          %max3A_153 = arith.maximumf %sub3A_150, %max3A_152 : vector<256x256xf32>
          %mul3A_154 = arith.mulf %max3A_149, %max3A_153 : vector<256x256xf32>
          %add3A_155 = vector.broadcast %transpose3A_41 : vector<256x1xf32> to vector<256x256xf32>
          %add3A_156 = vector.broadcast %get3A_133 : vector<1x256xf32> to vector<256x256xf32>
          %add3A_157 = arith.addf %add3A_155, %add3A_156 : vector<256x256xf32>
          %sub3A_158 = arith.subf %add3A_157, %mul3A_154 : vector<256x256xf32>
          %max3A_159 = arith.constant 9.99999996E-13 : f32
          %max3A_160 = vector.broadcast %max3A_159 : f32 to vector<256x256xf32>
          %max3A_161 = arith.maximumf %sub3A_158, %max3A_160 : vector<256x256xf32>
          %div3A_162 = arith.divf %mul3A_154, %max3A_161 : vector<256x256xf32>
          %gt3A_163 = arith.constant 5.000000e-01 : f32
          %gt3A_164 = vector.broadcast %gt3A_163 : f32 to vector<256x256xf32>
          %gt3A_165 = arith.cmpf ogt, %div3A_162, %gt3A_164 : vector<256x256xf32>
          %convert_element_type3A_166 = arith.extui %gt3A_165 : vector<256x256xi1> to vector<256x256xi32>
          %convert_element_type3A_167 = arith.sitofp %convert_element_type3A_166 : vector<256x256xi32> to vector<256x256xf32>
          %convert_element_type3A_168 = arith.truncf %convert_element_type3A_167 : vector<256x256xf32> to vector<256x256xbf16>
          %dot_general3A = arith.constant dense<0.000000e+00> : vector<8x256xf32>
          %dot_general3A_169 = tpu.matmul %convert_element_type3A_77, %convert_element_type3A_168, %dot_general3A {dimension_numbers = #tpu.dot_dimension_numbers<[1], [0], [0], [1], [0, 0, 1, 1], [], []>, transpose_lhs_hint = false} : vector<8x256xbf16>, vector<256x256xbf16>, vector<8x256xf32> -> vector<8x256xf32>
          %slice3A = vector.extract_strided_slice %dot_general3A_169 {offsets = [0, 0], sizes = [1, 256], strides = [1, 1]} : vector<8x256xf32> to vector<1x256xf32>
          %lt3A = arith.constant 5.000000e-01 : f32
          %lt3A_170 = vector.broadcast %lt3A : f32 to vector<1x256xf32>
          %lt3A_171 = arith.cmpf olt, %slice3A, %lt3A_170 : vector<1x256xf32>
          %convert_element_type3A_172 = arith.extui %lt3A_171 : vector<1x256xi1> to vector<1x256xi32>
          %convert_element_type3A_173 = arith.sitofp %convert_element_type3A_172 : vector<1x256xi32> to vector<1x256xf32>
          %get3A_174 = arith.index_cast %add3A_118 : i32 to index
          %get3A_175 = arith.constant 0 : index
          %get3A_176 = vector.load %arg6[%get3A_174, %get3A_175] : memref<79x256xf32, #tpu.memory_space<vmem>>, vector<1x256xf32>
          %mul3A_177 = arith.mulf %get3A_176, %convert_element_type3A_173 : vector<1x256xf32>
          %swap3A_178 = arith.index_cast %add3A_118 : i32 to index
          %swap3A_179 = arith.constant 0 : index
          %swap3A_180 = vector.load %arg6[%swap3A_178, %swap3A_179] : memref<79x256xf32, #tpu.memory_space<vmem>>, vector<1x256xf32>
          tpu.vector_store %arg6[%swap3A_178, %swap3A_179], %mul3A_177 {strides = array<i32>} : memref<79x256xf32, #tpu.memory_space<vmem>>, vector<1x256xf32>,
          %add3A_181 = arith.constant 1 : i32
          %add3A_182 = arith.addi %add3A_118, %add3A_181 : i32
          %min3A_183 = arith.constant 78 : i32
          %min3A_184 = arith.minsi %add3A_182, %min3A_183 : i32
          %get3A_185 = arith.index_cast %min3A_184 : i32 to index
          %get3A_186 = arith.constant 0 : index
          %get3A_187 = vector.load %arg0[%get3A_185, %get3A_186] : memref<79x256xf32, #tpu.memory_space<vmem>>, vector<1x256xf32>
          %get3A_188 = arith.index_cast %min3A_184 : i32 to index
          %get3A_189 = arith.constant 0 : index
          %get3A_190 = vector.load %arg1[%get3A_188, %get3A_189] : memref<79x256xf32, #tpu.memory_space<vmem>>, vector<1x256xf32>
          %get3A_191 = arith.index_cast %min3A_184 : i32 to index
          %get3A_192 = arith.constant 0 : index
          %get3A_193 = vector.load %arg2[%get3A_191, %get3A_192] : memref<79x256xf32, #tpu.memory_space<vmem>>, vector<1x256xf32>
          %get3A_194 = arith.index_cast %min3A_184 : i32 to index
          %get3A_195 = arith.constant 0 : index
          %get3A_196 = vector.load %arg3[%get3A_194, %get3A_195] : memref<79x256xf32, #tpu.memory_space<vmem>>, vector<1x256xf32>
          %get3A_197 = arith.index_cast %min3A_184 : i32 to index
          %get3A_198 = arith.constant 0 : index
          %get3A_199 = vector.load %arg4[%get3A_197, %get3A_198] : memref<79x256xf32, #tpu.memory_space<vmem>>, vector<1x256xf32>
          %max3A_200 = vector.broadcast %transpose3A : vector<256x1xf32> to vector<256x256xf32>
          %max3A_201 = vector.broadcast %get3A_187 : vector<1x256xf32> to vector<256x256xf32>
          %max3A_202 = arith.maximumf %max3A_200, %max3A_201 : vector<256x256xf32>
          %max3A_203 = vector.broadcast %transpose3A_38 : vector<256x1xf32> to vector<256x256xf32>
          %max3A_204 = vector.broadcast %get3A_190 : vector<1x256xf32> to vector<256x256xf32>
          %max3A_205 = arith.maximumf %max3A_203, %max3A_204 : vector<256x256xf32>
          %min3A_206 = vector.broadcast %transpose3A_39 : vector<256x1xf32> to vector<256x256xf32>
          %min3A_207 = vector.broadcast %get3A_193 : vector<1x256xf32> to vector<256x256xf32>
          %min3A_208 = arith.minimumf %min3A_206, %min3A_207 : vector<256x256xf32>
          %min3A_209 = vector.broadcast %transpose3A_40 : vector<256x1xf32> to vector<256x256xf32>
          %min3A_210 = vector.broadcast %get3A_196 : vector<1x256xf32> to vector<256x256xf32>
          %min3A_211 = arith.minimumf %min3A_209, %min3A_210 : vector<256x256xf32>
          %sub3A_212 = arith.subf %min3A_208, %max3A_202 : vector<256x256xf32>
          %max3A_213 = arith.constant 0.000000e+00 : f32
          %max3A_214 = vector.broadcast %max3A_213 : f32 to vector<256x256xf32>
          %max3A_215 = arith.maximumf %sub3A_212, %max3A_214 : vector<256x256xf32>
          %sub3A_216 = arith.subf %min3A_211, %max3A_205 : vector<256x256xf32>
          %max3A_217 = arith.constant 0.000000e+00 : f32
          %max3A_218 = vector.broadcast %max3A_217 : f32 to vector<256x256xf32>
          %max3A_219 = arith.maximumf %sub3A_216, %max3A_218 : vector<256x256xf32>
          %mul3A_220 = arith.mulf %max3A_215, %max3A_219 : vector<256x256xf32>
          %add3A_221 = vector.broadcast %transpose3A_41 : vector<256x1xf32> to vector<256x256xf32>
          %add3A_222 = vector.broadcast %get3A_199 : vector<1x256xf32> to vector<256x256xf32>
          %add3A_223 = arith.addf %add3A_221, %add3A_222 : vector<256x256xf32>
          %sub3A_224 = arith.subf %add3A_223, %mul3A_220 : vector<256x256xf32>
          %max3A_225 = arith.constant 9.99999996E-13 : f32
          %max3A_226 = vector.broadcast %max3A_225 : f32 to vector<256x256xf32>
          %max3A_227 = arith.maximumf %sub3A_224, %max3A_226 : vector<256x256xf32>
          %div3A_228 = arith.divf %mul3A_220, %max3A_227 : vector<256x256xf32>
          %gt3A_229 = arith.constant 5.000000e-01 : f32
          %gt3A_230 = vector.broadcast %gt3A_229 : f32 to vector<256x256xf32>
          %gt3A_231 = arith.cmpf ogt, %div3A_228, %gt3A_230 : vector<256x256xf32>
          %convert_element_type3A_232 = arith.extui %gt3A_231 : vector<256x256xi1> to vector<256x256xi32>
          %convert_element_type3A_233 = arith.sitofp %convert_element_type3A_232 : vector<256x256xi32> to vector<256x256xf32>
          %convert_element_type3A_234 = arith.truncf %convert_element_type3A_233 : vector<256x256xf32> to vector<256x256xbf16>
          %dot_general3A_235 = arith.constant dense<0.000000e+00> : vector<8x256xf32>
          %dot_general3A_236 = tpu.matmul %convert_element_type3A_77, %convert_element_type3A_234, %dot_general3A_235 {dimension_numbers = #tpu.dot_dimension_numbers<[1], [0], [0], [1], [0, 0, 1, 1], [], []>, transpose_lhs_hint = false} : vector<8x256xbf16>, vector<256x256xbf16>, vector<8x256xf32> -> vector<8x256xf32>
          %slice3A_237 = vector.extract_strided_slice %dot_general3A_236 {offsets = [0, 0], sizes = [1, 256], strides = [1, 1]} : vector<8x256xf32> to vector<1x256xf32>
          %lt3A_238 = arith.constant 5.000000e-01 : f32
          %lt3A_239 = vector.broadcast %lt3A_238 : f32 to vector<1x256xf32>
          %lt3A_240 = arith.cmpf olt, %slice3A_237, %lt3A_239 : vector<1x256xf32>
          %convert_element_type3A_241 = arith.extui %lt3A_240 : vector<1x256xi1> to vector<1x256xi32>
          %convert_element_type3A_242 = arith.sitofp %convert_element_type3A_241 : vector<1x256xi32> to vector<1x256xf32>
          %get3A_243 = arith.index_cast %min3A_184 : i32 to index
          %get3A_244 = arith.constant 0 : index
          %get3A_245 = vector.load %arg6[%get3A_243, %get3A_244] : memref<79x256xf32, #tpu.memory_space<vmem>>, vector<1x256xf32>
          %mul3A_246 = arith.mulf %get3A_245, %convert_element_type3A_242 : vector<1x256xf32>
          %swap3A_247 = arith.index_cast %min3A_184 : i32 to index
          %swap3A_248 = arith.constant 0 : index
          %swap3A_249 = vector.load %arg6[%swap3A_247, %swap3A_248] : memref<79x256xf32, #tpu.memory_space<vmem>>, vector<1x256xf32>
          tpu.vector_store %arg6[%swap3A_247, %swap3A_248], %mul3A_246 {strides = array<i32>} : memref<79x256xf32, #tpu.memory_space<vmem>>, vector<1x256xf32>,
          %add3A_250 = arith.constant 2 : i32
          %add3A_251 = arith.addi %add3A_118, %add3A_250 : i32
          %min3A_252 = arith.constant 78 : i32
          %min3A_253 = arith.minsi %add3A_251, %min3A_252 : i32
          %get3A_254 = arith.index_cast %min3A_253 : i32 to index
          %get3A_255 = arith.constant 0 : index
          %get3A_256 = vector.load %arg0[%get3A_254, %get3A_255] : memref<79x256xf32, #tpu.memory_space<vmem>>, vector<1x256xf32>
          %get3A_257 = arith.index_cast %min3A_253 : i32 to index
          %get3A_258 = arith.constant 0 : index
          %get3A_259 = vector.load %arg1[%get3A_257, %get3A_258] : memref<79x256xf32, #tpu.memory_space<vmem>>, vector<1x256xf32>
          %get3A_260 = arith.index_cast %min3A_253 : i32 to index
          %get3A_261 = arith.constant 0 : index
          %get3A_262 = vector.load %arg2[%get3A_260, %get3A_261] : memref<79x256xf32, #tpu.memory_space<vmem>>, vector<1x256xf32>
          %get3A_263 = arith.index_cast %min3A_253 : i32 to index
          %get3A_264 = arith.constant 0 : index
          %get3A_265 = vector.load %arg3[%get3A_263, %get3A_264] : memref<79x256xf32, #tpu.memory_space<vmem>>, vector<1x256xf32>
          %get3A_266 = arith.index_cast %min3A_253 : i32 to index
          %get3A_267 = arith.constant 0 : index
          %get3A_268 = vector.load %arg4[%get3A_266, %get3A_267] : memref<79x256xf32, #tpu.memory_space<vmem>>, vector<1x256xf32>
          %max3A_269 = vector.broadcast %transpose3A : vector<256x1xf32> to vector<256x256xf32>
          %max3A_270 = vector.broadcast %get3A_256 : vector<1x256xf32> to vector<256x256xf32>
          %max3A_271 = arith.maximumf %max3A_269, %max3A_270 : vector<256x256xf32>
          %max3A_272 = vector.broadcast %transpose3A_38 : vector<256x1xf32> to vector<256x256xf32>
          %max3A_273 = vector.broadcast %get3A_259 : vector<1x256xf32> to vector<256x256xf32>
          %max3A_274 = arith.maximumf %max3A_272, %max3A_273 : vector<256x256xf32>
          %min3A_275 = vector.broadcast %transpose3A_39 : vector<256x1xf32> to vector<256x256xf32>
          %min3A_276 = vector.broadcast %get3A_262 : vector<1x256xf32> to vector<256x256xf32>
          %min3A_277 = arith.minimumf %min3A_275, %min3A_276 : vector<256x256xf32>
          %min3A_278 = vector.broadcast %transpose3A_40 : vector<256x1xf32> to vector<256x256xf32>
          %min3A_279 = vector.broadcast %get3A_265 : vector<1x256xf32> to vector<256x256xf32>
          %min3A_280 = arith.minimumf %min3A_278, %min3A_279 : vector<256x256xf32>
          %sub3A_281 = arith.subf %min3A_277, %max3A_271 : vector<256x256xf32>
          %max3A_282 = arith.constant 0.000000e+00 : f32
          %max3A_283 = vector.broadcast %max3A_282 : f32 to vector<256x256xf32>
          %max3A_284 = arith.maximumf %sub3A_281, %max3A_283 : vector<256x256xf32>
          %sub3A_285 = arith.subf %min3A_280, %max3A_274 : vector<256x256xf32>
          %max3A_286 = arith.constant 0.000000e+00 : f32
          %max3A_287 = vector.broadcast %max3A_286 : f32 to vector<256x256xf32>
          %max3A_288 = arith.maximumf %sub3A_285, %max3A_287 : vector<256x256xf32>
          %mul3A_289 = arith.mulf %max3A_284, %max3A_288 : vector<256x256xf32>
          %add3A_290 = vector.broadcast %transpose3A_41 : vector<256x1xf32> to vector<256x256xf32>
          %add3A_291 = vector.broadcast %get3A_268 : vector<1x256xf32> to vector<256x256xf32>
          %add3A_292 = arith.addf %add3A_290, %add3A_291 : vector<256x256xf32>
          %sub3A_293 = arith.subf %add3A_292, %mul3A_289 : vector<256x256xf32>
          %max3A_294 = arith.constant 9.99999996E-13 : f32
          %max3A_295 = vector.broadcast %max3A_294 : f32 to vector<256x256xf32>
          %max3A_296 = arith.maximumf %sub3A_293, %max3A_295 : vector<256x256xf32>
          %div3A_297 = arith.divf %mul3A_289, %max3A_296 : vector<256x256xf32>
          %gt3A_298 = arith.constant 5.000000e-01 : f32
          %gt3A_299 = vector.broadcast %gt3A_298 : f32 to vector<256x256xf32>
          %gt3A_300 = arith.cmpf ogt, %div3A_297, %gt3A_299 : vector<256x256xf32>
          %convert_element_type3A_301 = arith.extui %gt3A_300 : vector<256x256xi1> to vector<256x256xi32>
          %convert_element_type3A_302 = arith.sitofp %convert_element_type3A_301 : vector<256x256xi32> to vector<256x256xf32>
          %convert_element_type3A_303 = arith.truncf %convert_element_type3A_302 : vector<256x256xf32> to vector<256x256xbf16>
          %dot_general3A_304 = arith.constant dense<0.000000e+00> : vector<8x256xf32>
          %dot_general3A_305 = tpu.matmul %convert_element_type3A_77, %convert_element_type3A_303, %dot_general3A_304 {dimension_numbers = #tpu.dot_dimension_numbers<[1], [0], [0], [1], [0, 0, 1, 1], [], []>, transpose_lhs_hint = false} : vector<8x256xbf16>, vector<256x256xbf16>, vector<8x256xf32> -> vector<8x256xf32>
          %slice3A_306 = vector.extract_strided_slice %dot_general3A_305 {offsets = [0, 0], sizes = [1, 256], strides = [1, 1]} : vector<8x256xf32> to vector<1x256xf32>
          %lt3A_307 = arith.constant 5.000000e-01 : f32
          %lt3A_308 = vector.broadcast %lt3A_307 : f32 to vector<1x256xf32>
          %lt3A_309 = arith.cmpf olt, %slice3A_306, %lt3A_308 : vector<1x256xf32>
          %convert_element_type3A_310 = arith.extui %lt3A_309 : vector<1x256xi1> to vector<1x256xi32>
          %convert_element_type3A_311 = arith.sitofp %convert_element_type3A_310 : vector<1x256xi32> to vector<1x256xf32>
          %get3A_312 = arith.index_cast %min3A_253 : i32 to index
          %get3A_313 = arith.constant 0 : index
          %get3A_314 = vector.load %arg6[%get3A_312, %get3A_313] : memref<79x256xf32, #tpu.memory_space<vmem>>, vector<1x256xf32>
          %mul3A_315 = arith.mulf %get3A_314, %convert_element_type3A_311 : vector<1x256xf32>
          %swap3A_316 = arith.index_cast %min3A_253 : i32 to index
          %swap3A_317 = arith.constant 0 : index
          %swap3A_318 = vector.load %arg6[%swap3A_316, %swap3A_317] : memref<79x256xf32, #tpu.memory_space<vmem>>, vector<1x256xf32>
          tpu.vector_store %arg6[%swap3A_316, %swap3A_317], %mul3A_315 {strides = array<i32>} : memref<79x256xf32, #tpu.memory_space<vmem>>, vector<1x256xf32>,
          %add3A_319 = arith.constant 3 : i32
          %add3A_320 = arith.addi %add3A_118, %add3A_319 : i32
          %min3A_321 = arith.constant 78 : i32
          %min3A_322 = arith.minsi %add3A_320, %min3A_321 : i32
          %get3A_323 = arith.index_cast %min3A_322 : i32 to index
          %get3A_324 = arith.constant 0 : index
          %get3A_325 = vector.load %arg0[%get3A_323, %get3A_324] : memref<79x256xf32, #tpu.memory_space<vmem>>, vector<1x256xf32>
          %get3A_326 = arith.index_cast %min3A_322 : i32 to index
          %get3A_327 = arith.constant 0 : index
          %get3A_328 = vector.load %arg1[%get3A_326, %get3A_327] : memref<79x256xf32, #tpu.memory_space<vmem>>, vector<1x256xf32>
          %get3A_329 = arith.index_cast %min3A_322 : i32 to index
          %get3A_330 = arith.constant 0 : index
          %get3A_331 = vector.load %arg2[%get3A_329, %get3A_330] : memref<79x256xf32, #tpu.memory_space<vmem>>, vector<1x256xf32>
          %get3A_332 = arith.index_cast %min3A_322 : i32 to index
          %get3A_333 = arith.constant 0 : index
          %get3A_334 = vector.load %arg3[%get3A_332, %get3A_333] : memref<79x256xf32, #tpu.memory_space<vmem>>, vector<1x256xf32>
          %get3A_335 = arith.index_cast %min3A_322 : i32 to index
          %get3A_336 = arith.constant 0 : index
          %get3A_337 = vector.load %arg4[%get3A_335, %get3A_336] : memref<79x256xf32, #tpu.memory_space<vmem>>, vector<1x256xf32>
          %max3A_338 = vector.broadcast %transpose3A : vector<256x1xf32> to vector<256x256xf32>
          %max3A_339 = vector.broadcast %get3A_325 : vector<1x256xf32> to vector<256x256xf32>
          %max3A_340 = arith.maximumf %max3A_338, %max3A_339 : vector<256x256xf32>
          %max3A_341 = vector.broadcast %transpose3A_38 : vector<256x1xf32> to vector<256x256xf32>
          %max3A_342 = vector.broadcast %get3A_328 : vector<1x256xf32> to vector<256x256xf32>
          %max3A_343 = arith.maximumf %max3A_341, %max3A_342 : vector<256x256xf32>
          %min3A_344 = vector.broadcast %transpose3A_39 : vector<256x1xf32> to vector<256x256xf32>
          %min3A_345 = vector.broadcast %get3A_331 : vector<1x256xf32> to vector<256x256xf32>
          %min3A_346 = arith.minimumf %min3A_344, %min3A_345 : vector<256x256xf32>
          %min3A_347 = vector.broadcast %transpose3A_40 : vector<256x1xf32> to vector<256x256xf32>
          %min3A_348 = vector.broadcast %get3A_334 : vector<1x256xf32> to vector<256x256xf32>
          %min3A_349 = arith.minimumf %min3A_347, %min3A_348 : vector<256x256xf32>
          %sub3A_350 = arith.subf %min3A_346, %max3A_340 : vector<256x256xf32>
          %max3A_351 = arith.constant 0.000000e+00 : f32
          %max3A_352 = vector.broadcast %max3A_351 : f32 to vector<256x256xf32>
          %max3A_353 = arith.maximumf %sub3A_350, %max3A_352 : vector<256x256xf32>
          %sub3A_354 = arith.subf %min3A_349, %max3A_343 : vector<256x256xf32>
          %max3A_355 = arith.constant 0.000000e+00 : f32
          %max3A_356 = vector.broadcast %max3A_355 : f32 to vector<256x256xf32>
          %max3A_357 = arith.maximumf %sub3A_354, %max3A_356 : vector<256x256xf32>
          %mul3A_358 = arith.mulf %max3A_353, %max3A_357 : vector<256x256xf32>
          %add3A_359 = vector.broadcast %transpose3A_41 : vector<256x1xf32> to vector<256x256xf32>
          %add3A_360 = vector.broadcast %get3A_337 : vector<1x256xf32> to vector<256x256xf32>
          %add3A_361 = arith.addf %add3A_359, %add3A_360 : vector<256x256xf32>
          %sub3A_362 = arith.subf %add3A_361, %mul3A_358 : vector<256x256xf32>
          %max3A_363 = arith.constant 9.99999996E-13 : f32
          %max3A_364 = vector.broadcast %max3A_363 : f32 to vector<256x256xf32>
          %max3A_365 = arith.maximumf %sub3A_362, %max3A_364 : vector<256x256xf32>
          %div3A_366 = arith.divf %mul3A_358, %max3A_365 : vector<256x256xf32>
          %gt3A_367 = arith.constant 5.000000e-01 : f32
          %gt3A_368 = vector.broadcast %gt3A_367 : f32 to vector<256x256xf32>
          %gt3A_369 = arith.cmpf ogt, %div3A_366, %gt3A_368 : vector<256x256xf32>
          %convert_element_type3A_370 = arith.extui %gt3A_369 : vector<256x256xi1> to vector<256x256xi32>
          %convert_element_type3A_371 = arith.sitofp %convert_element_type3A_370 : vector<256x256xi32> to vector<256x256xf32>
          %convert_element_type3A_372 = arith.truncf %convert_element_type3A_371 : vector<256x256xf32> to vector<256x256xbf16>
          %dot_general3A_373 = arith.constant dense<0.000000e+00> : vector<8x256xf32>
          %dot_general3A_374 = tpu.matmul %convert_element_type3A_77, %convert_element_type3A_372, %dot_general3A_373 {dimension_numbers = #tpu.dot_dimension_numbers<[1], [0], [0], [1], [0, 0, 1, 1], [], []>, transpose_lhs_hint = false} : vector<8x256xbf16>, vector<256x256xbf16>, vector<8x256xf32> -> vector<8x256xf32>
          %slice3A_375 = vector.extract_strided_slice %dot_general3A_374 {offsets = [0, 0], sizes = [1, 256], strides = [1, 1]} : vector<8x256xf32> to vector<1x256xf32>
          %lt3A_376 = arith.constant 5.000000e-01 : f32
          %lt3A_377 = vector.broadcast %lt3A_376 : f32 to vector<1x256xf32>
          %lt3A_378 = arith.cmpf olt, %slice3A_375, %lt3A_377 : vector<1x256xf32>
          %convert_element_type3A_379 = arith.extui %lt3A_378 : vector<1x256xi1> to vector<1x256xi32>
          %convert_element_type3A_380 = arith.sitofp %convert_element_type3A_379 : vector<1x256xi32> to vector<1x256xf32>
          %get3A_381 = arith.index_cast %min3A_322 : i32 to index
          %get3A_382 = arith.constant 0 : index
          %get3A_383 = vector.load %arg6[%get3A_381, %get3A_382] : memref<79x256xf32, #tpu.memory_space<vmem>>, vector<1x256xf32>
          %mul3A_384 = arith.mulf %get3A_383, %convert_element_type3A_380 : vector<1x256xf32>
          %swap3A_385 = arith.index_cast %min3A_322 : i32 to index
          %swap3A_386 = arith.constant 0 : index
          %swap3A_387 = vector.load %arg6[%swap3A_385, %swap3A_386] : memref<79x256xf32, #tpu.memory_space<vmem>>, vector<1x256xf32>
          tpu.vector_store %arg6[%swap3A_385, %swap3A_386], %mul3A_384 {strides = array<i32>} : memref<79x256xf32, #tpu.memory_space<vmem>>, vector<1x256xf32>,
          %while3A_388 = arith.constant 0 : i32
          scf.yield %while3A_388 : i32
        }
      } else {
      }
    }
    %scan3A_10 = arith.constant 79 : i32
    return
  }
}

</mosaic_0001>

<sc_bundles>
// kernel: gather_offload_async_start.1
scs
__scs_entry_jumppad:
0x0: {  	(pc) =	sbr.rel $0x88, $3  }
0x1: {  	(tag) =	ssettag $0x0;
	lr =	simm.s32 $0x1  }
0x2: {  	[smem:$0x3F9F] =	sst lr;
	_ =	strace $0xD0000000  }
0x3: {  	_ = 	snop  }
0x4: {  	_ = 	snop  }
0x5: {  	_ = 	snop  }
0x6: {  	_ = 	snop  }
0x7: {  	_ = 	snop  }
__scs_overlays_trampoline_lowered:
0x8: {  	[smem:$0x3FAE] =	sst s0  }
0x9: {  	[smem:$0x3FAF] =	sst s1  }
0xa: {  	[smem:$0x3FB0] =	sst s2  }
0xb: {  	[smem:$0x3FB1] =	sst s3  }
0xc: {  	[smem:$0x3FB2] =	sst s4  }
0xd: {  	[smem:$0x3FB3] =	sst s5  }
0xe: {  	[smem:$0x3FB4] =	sst s6  }
0xf: {  	[smem:$0x3FB5] =	sst s7  }
0x10: {  	[smem:$0x3FB6] =	sst s8  }
0x11: {  	[smem:$0x3FB7] =	sst s9;
	s0 =	simm.s32 @!p0 $0x0  }
0x12: {  	s1 =	sld [smem:$0x3F9D];
	s0 =	simm.s32 @p0 $0x1  }
0x13: {  	[smem:$0x3FB8] =	sst s0;
	s0 =	simm.s32 @!p1 $0x0  }
0x14: {  	s2 =	sld [smem:$0x3F9C];
	s0 =	simm.s32 @p1 $0x1  }
0x15: {  	[smem:$0x3FB9] =	sst s0;
	s0 =	simm.s32 @!p2 $0x0  }
0x16: {  	s3 =	sld [smem:$0x3FDB];
	s0 =	simm.s32 @p2 $0x1  }
0x17: {  	s4 =	simm.s32 $0x1BF5;
	[smem:$0x3FBB] =	sst s0  }
0x18: {  	s0 =	sld [smem:$0x3F9E];
	_ =	swait.ge [sflag:s4], $0x0  }
0x19: {  	s7 =	sld [smem:$0x3F9F]  }
0x1a: {  	s8 =	sadd.s32 $0xFFFFE003, lr  }
0x1b: {  	s9 =	sadd.s32 $0xFFFFFEF7, lr;
	s5 =	simm.s32 $0xFFFFFFFF;
	p2 =	slt.u32 s8, $0xFFFFF086  }
0x1c: {  	p1 =	slt.u32 s9, $0xF7A;
	s5 =	simm.s32 @!p2 $0x0  }
0x1d: {  	s5 =	simm.s32 @p1 $0x1;
	p0 =	seq.s32 s7, s2  }
0x1e: {  	s7 =	smul.u32 @!p0 $0xF7A, s2;
	p2 =	seq.s32 @!p0 s5, $0x0  }
0x1f: {  	s9 =	smul.u32 $0xF7A, s1;
	s8 =	simm.s32 @!p0 $0x1BF5;
	p2 =	por !p2, p0  }
0x20: {  	[sflag:s8] =	ssyncset.s32 @!p0 $0xFFFFF086;
	s6 =	sadd.s32 @!p0 s3, s7;
	s7 =	simm.s32 @!p0 $0x108  }
0x21: {  	s3 =	sadd.s32 s3, s9;
	s6 =	sadd.s32 @!p0 $0x88, s6;
	s7 =	simm.s32 @p2 $0x1082  }
0x22: {  	[simem:s7], [sflag:s8] =	dma.local @!p0 [hbm:s6], $0xF7A  }
0x23: {  	s9 =	sor.u32 $0xD0000000, s2;
	s6 =	simm.s32 $0x108;
	_ =	swait.ge @!p0 [sflag:s8], $0x0  }
0x24: {  	s3 =	sadd.s32 $0x88, s3;
	s6 =	simm.s32 @!p1 $0x1082;
	[sflag:s4] =	ssyncset.s32 $0xFFFFF086  }
0x25: {  	[simem:s6], [sflag:s4] =	dma.local [hbm:s3], $0xF7A  }
0x26: {  	[smem:$0x3F9F] =	sst s1;
	(tag) =	ssettag s2;
	_ =	strace s9  }
0x27: {  	s1 =	sld [smem:$0x3FAF]  }
0x28: {  	s2 =	sld [smem:$0x3FB0]  }
0x29: {  	s4 =	sld [smem:$0x3FB2]  }
0x2a: {  	p0 =	seq.s32 s5, $0x0;
	s5 =	sld [smem:$0x3FB3]  }
0x2b: {  	s6 =	sld [smem:$0x3FB4]  }
0x2c: {  	s7 =	sld [smem:$0x3FB5]  }
0x2d: {  	s3 =	simm.s32 $0x108;
	s8 =	sld [smem:$0x3FB6]  }
0x2e: {  	s3 =	simm.s32 @!p0 $0x1082;
	s9 =	sld [smem:$0x3FB7]  }
0x2f: {  	lr =	sadd.s32 s0, s3;
	s0 =	sld [smem:$0x3FAE]  }
0x30: {  	s3 =	sld [smem:$0x3FB1]  }
0x31: {  	[smem:$0x3FBA] =	sst s10  }
0x32: {  	s10 =	sld [smem:$0x3FB8];
	_ =	sdelay $0x3  }
0x33: {  	p0 =	seq.s32 s10, $0x1;
	s10 =	sld [smem:$0x3FBA];
	_ =	sdelay $0x3  }
0x34: {  	[smem:$0x3FBA] =	sst s10  }
0x35: {  	s10 =	sld [smem:$0x3FB9];
	_ =	sdelay $0x3  }
0x36: {  	p1 =	seq.s32 s10, $0x1;
	s10 =	sld [smem:$0x3FBA];
	_ =	sdelay $0x3  }
0x37: {  	[smem:$0x3FBA] =	sst s10  }
0x38: {  	s10 =	sld [smem:$0x3FBB]  }
0x39: {  	_ = 	snop;
	(pc) =	sbr.ind lr, $3  }
0x3a: {  	_ = 	snop  }
0x3b: {  	_ = 	snop  }
0x3c: {  	p2 =	seq.s32 s10, $0x1;
	s10 =	sld [smem:$0x3FBA]  }
0x3d: {  	_ =	shalt  }
0x3e: {  	_ =	shalt  }
0x3f: {  	_ =	shalt  }
0x40: {  	_ =	shalt  }
0x41: {  	_ =	shalt  }
0x42: {  	_ =	shalt  }
0x43: {  	_ =	shalt  }
0x44: {  	_ =	shalt  }
0x45: {  	_ =	shalt  }
0x46: {  	_ =	shalt  }
0x47: {  	_ =	shalt  }
0x48: {  	_ =	shalt  }
0x49: {  	_ =	shalt  }
0x4a: {  	_ =	shalt  }
0x4b: {  	_ =	shalt  }
0x4c: {  	_ =	shalt  }
0x4d: {  	_ =	shalt  }
0x4e: {  	_ =	shalt  }
0x4f: {  	_ =	shalt  }
0x50: {  	_ =	shalt  }
0x51: {  	_ =	shalt  }
0x52: {  	_ =	shalt  }
0x53: {  	_ =	shalt  }
0x54: {  	_ =	shalt  }
0x55: {  	_ =	shalt  }
0x56: {  	_ =	shalt  }
0x57: {  	_ =	shalt  }
0x58: {  	_ =	shalt  }
0x59: {  	_ =	shalt  }
0x5a: {  	_ =	shalt  }
0x5b: {  	_ =	shalt  }
0x5c: {  	_ =	shalt  }
0x5d: {  	_ =	shalt  }
0x5e: {  	_ =	shalt  }
0x5f: {  	_ =	shalt  }
0x60: {  	_ =	shalt  }
0x61: {  	_ =	shalt  }
0x62: {  	_ =	shalt  }
0x63: {  	_ =	shalt  }
0x64: {  	_ =	shalt  }
0x65: {  	_ =	shalt  }
0x66: {  	_ =	shalt  }
0x67: {  	_ =	shalt  }
0x68: {  	_ =	shalt  }
0x69: {  	_ =	shalt  }
0x6a: {  	_ =	shalt  }
0x6b: {  	_ =	shalt  }
0x6c: {  	_ =	shalt  }
0x6d: {  	_ =	shalt  }
0x6e: {  	_ =	shalt  }
0x6f: {  	_ =	shalt  }
0x70: {  	_ =	shalt  }
0x71: {  	_ =	shalt  }
0x72: {  	_ =	shalt  }
0x73: {  	_ =	shalt  }
0x74: {  	_ =	shalt  }
0x75: {  	_ =	shalt  }
0x76: {  	_ =	shalt  }
0x77: {  	_ =	shalt  }
0x78: {  	_ =	shalt  }
0x79: {  	_ =	shalt  }
0x7a: {  	_ =	shalt  }
0x7b: {  	_ =	shalt  }
0x7c: {  	_ =	shalt  }
0x7d: {  	_ =	shalt  }
0x7e: {  	_ =	shalt  }
0x7f: {  	_ =	shalt  }
0x80: {  	_ =	shalt  }
0x81: {  	_ =	shalt  }
0x82: {  	_ =	shalt  }
0x83: {  	_ =	shalt  }
0x84: {  	_ =	shalt  }
0x85: {  	_ =	shalt  }
0x86: {  	_ =	shalt  }
0x87: {  	_ =	shalt  }
.Lfunc_end0:
.L_simem_size_0:
called_computation.1_lowered:
.L_overlay_start_0:
0x88: {  	s0 =	sld [smem:$0x3FD9]  }
0x89: {  	s1 =	sld [smem:$0x3FFE];
	_ =	sdelay $0x3  }
0x8a: {  	s0 =	sadd.s32 s1, s0  }
0x8b: {  	[smem:$0x3FC6] =	sst s0  }
0x8c: {  	_ = 	snop  }
0x8d: {  	s0 =	sld [smem:$0x3FD0];
	(tm) =	ssettm $0x1  }
0x8e: {  	s16 =	sld [smem:$0x3FFB];
	_ =	sdelay $0x3  }
0x8f: {  	_ =	strace s16  }
0x90: {  	s1 =	sld [smem:$0x3FFC];
	_ =	sdelay $0x3  }
0x91: {  	_ =	strace s1  }
0x92: {  	s1 =	sld [smem:$0x3FFD];
	_ =	sdelay $0x3  }
0x93: {  	_ =	strace s1  }
0x94: {  	_ =	strace $0x8FFFFFFF  }
0x95: {  	s17 =	sld [smem:$0x3FDB];
	_ =	sdelay $0x1  }
0x96: {  	s2 =	simm.s32 $_scs_section_size  }
0x97: {  	s3 =	simm.s32 $_size__tile_overlayer_lowered;
	s4 =	simm.s32 $_tile_overlayer_lowered  }
0x98: {  	s20 =	simm.s32 $0x1BFF;
	s19 =	sshll.u32 s4, $0x1;
	s1 =	sadd.s32 s2, s17  }
0x99: {  	s5 =	simm.s32 $0x0;
	s18 =	sshll.u32 s3, $0x1;
	s3 =	sadd.s32 s19, s1  }
0x9a: {  	[timem:s5], [sflag:s20] =	dma.local [hbm:s3], s18  }
0x9b: {  	_ =	swait.ge [sflag:s20], s18  }
0x9c: {  	s2 =	ssub.s32 $0x0, s18;
	[sflag:s20] =	ssyncset.done $0x0  }
0x9d: {  	[sflag:s20] =	ssyncadd.s32 s2;
	_ =	sdelay $0x1  }
0x9e: {  	s21 =	simm.s32 $0x1B8B  }
0x9f: {  	_ =	swait.ge [sflag:s21], $0x1  }
0xa0: {  	[sflag:s21] =	ssyncset.done $0x0  }
0xa1: {  	s23 =	simm.s32 $0x1B8E;
	s22 =	sld [smem:$0x3FFE];
	[sflag:s21] =	ssyncadd.s32 $0xFFFFFFFF  }
0xa2: {  	s24 =	simm.s32 $execute0_lowered;
	[smem:$0x3FD2] =	sst s23  }
0xa3: {  	s3 =	sshll.u32 s24, $0x1;
	_ =	strace $0x80000046;
	[dreg:$0x1] =	wrdreg $0xFFFFFFFF  }
0xa4: {  	s25 =	simm.s32 $_size_execute0_lowered;
	s1 =	sadd.s32 s1, s3;
	[dreg:$0x0] =	wrdreg $0x0  }
0xa5: {  	s3 =	sshll.u32 s25, $0x1;
	[dreg:$0x2] =	wrdreg s1  }
0xa6: {  	[dreg:$0x3] =	wrdreg s3  }
0xa7: {  	[dreg:$0x4] =	wrdreg $0xC0  }
0xa8: {  	_ =	task [dreg:s5], $0x5FFFF  }
0xa9: {  	[dreg:$0x1] =	wrdreg $0xFFFFFFFF  }
0xaa: {  	[dreg:$0x0] =	wrdreg $0x60  }
0xab: {  	[dreg:$0x2] =	wrdreg s22  }
0xac: {  	[dreg:$0x3] =	wrdreg s0  }
0xad: {  	[dreg:$0x4] =	wrdreg $0xA  }
0xae: {  	_ =	task.clear_ibuf [dreg:s5], $0x5FFFF;
	_ =	strace $0x90000046  }
0xaf: {  	s26 =	simm.s32 $0xA;
	_ =	strace $0x80000048  }
0xb0: {  	_ =	swait.ge [sflag:s26], $0x1  }
0xb1: {  	[sflag:s26] =	ssyncadd.s32 $0xFFFFFFFF  }
0xb2: {  	_ =	strace $0x90000048  }
0xb3: {  	_ =	sfence  }
0xb4: {  	s28 =	sld [smem:$0x0];
	_ =	sdelay $0x1  }
0xb5: {  	s29 =	srdreg.scid  }
0xb6: {  	s30 =	sshll.u32 s29, $0xD;
	s31 =	sshrl.u32 s29, $0x2  }
0xb7: {  	s2 =	sand.u32 $0x4000, s30;
	s1 =	sand.u32 $0x1, s29;
	s0 =	sadd.s32 s31, s28  }
0xb8: {  	s1 =	sor.u32 s2, s1;
	s0 =	sshll.u32 s0, $0x11  }
0xb9: {  	s0 =	sor.u32 s0, s1  }
0xba: {  	s0 =	sadd.s32 $0x8F2B, s0  }
0xbb: {  	[sflag:s0] =	ssyncadd.remote.s32 $0x1  }
0xbc: {  	_ =	sfence.sel $0xFFFF  }
0xbd: {  	[dreg:$0x0] =	wrdreg $0xFFFFFFFF;
	(pc) =	sbr.abs _section_cstart, $3  }
0xbe: {  	[dreg:$0x1] =	wrdreg $0xFFFFFFFF  }
0xbf: {  	_ =	task.clear_ibuf [dreg:s5], $0x2FFFF;
	_ =	strace $0x9FFFFFFF  }
0xc0: {  	(tm) =	ssettm $0x7FFFFFFF  }
0xc1: {  	_ =	shalt  }
tec
execute0_lowered:
.L_overlay_start_1:
0x0: {  	(tag) =	ssettag $0x1  }
0x1: {  	s0 =	stileid.u32;
	s2 =	rddreg [dreg:$0x0]  }
0x2: {  	s5 =	simm.s32 $0x600;
	s4 =	rddreg [dreg:$0x1];
	s7 =	simm.s32 $0x1  }
0x3: {  	s8 =	simm.s32 $0x3;
	s10 =	simm.s32 $0x4;
	s1 =	smin.u32 s0, $0x8  }
0x4: {  	s3 =	sshll.u32 s0, $0xA;
	p0 =	slt.u32 s0, $0x8;
	s1 =	sshll.u32 s1, $0x9  }
0x5: {  	s11 =	simm.s32 $0x0;
	s5 =	simm.s32 @!p0 $0x400;
	s3 =	sadd.s32 s3, s1  }
0x6: {  	s12 =	simm.s32 $0xFFFFF800;
	s13 =	simm.s32 $0xFFFFFE00;
	s5 =	sadd.s32 s5, s3  }
0x7: {  	s14 =	simm.s32 $0xFFFFFFFF;
	s18 =	simm.s32 $0x0;
	s5 =	smin.u32 s5, $0x4E20  }
0x8: {  	s15 =	simm.s32 $0x0;
	s1 =	rddreg [dreg:$0x2];
	s9 =	ssub.s32 s5, s3  }
.Ltmp0:
0x9: {  	_ =	strace $0x80000047;
	p0 =	sgt.s32 s9, $0x0;
	(pc) =	sbr.rel .LBB2_1-.Ltmp0, $4  }
0xa: {  	[sflag:s7] =	ssyncpa.u1 $0x0;
	s7 =	simm.s32 $0x2;
	s9 =	simm.s32 @!p0 $0x0  }
0xb: {  	s17 =	simm.s32 $0x0;
	[sflag:s7] =	ssyncpa.u1 $0x0;
	s9 =	sadd.s32 $0x1FF, s9  }
0xc: {  	s6 =	sadd.s32 $0x400, s2;
	[sflag:s8] =	ssyncpa.u1 $0x0;
	s9 =	sshrl.u32 s9, $0x9  }
0xd: {  	v0 =	vlaneseq.u32;
	vm0 =	vmmov $0xffff;
	s16 =	smov.u32 s3;
	[sflag:s10] =	ssyncpa.u1 $0x0;
	s10 =	sadd.s32 $0x2, s9  }
.LBB2_7:
0xe: {  	p0 =	slt.u32 s17, $0x3  }
0xf: {  	s18 =	simm.s32 @!p0 $0x4  }
0x10: {  	_ =	swait.ge @!p0 [sflag:s18], $0x80  }
0x11: {  	s19 =	sadd.s32 $0x200, s16;
	[sflag:s18] =	ssyncset.done @!p0 $0x0  }
0x12: {  	s20 =	smov.u32 s3;
	[sflag:s18] =	ssyncadd.s32 @!p0 $0xFFFFFF80;
	p0 =	slt.s32 s19, s5  }
0x13: {  	s20 =	smov.u32 @p0 s19;
	p0 =	sne.s32 s17, s10  }
.Ltmp1:
0x14: {  	_ = 	snop;
	(pc) =	sbr.rel @!p0 .LBB2_8-.Ltmp1, $4  }
0x15: {  	_ = 	snop  }
0x16: {  	s31 =	sadd.s32 $0x1, s17;
	s12 =	sadd.s32 $0x800, s12  }
0x17: {  	s13 =	sadd.s32 $0x200, s13;
	s14 =	sadd.s32 $0x1, s14;
	s18 =	smov.u32 s15  }
0x18: {  	s15 =	smov.u32 s16;
	s17 =	smov.u32 s31;
	s16 =	smov.u32 s20  }
.LBB2_1:
0x19: {  	p0 =	sge.u32 s17, s9  }
0x1a: {  	s19 =	smulhi.u32 @!p0 $0xAAAAAAAB, s17;
	_ =	sdelay $0x1  }
0x1b: {  	s19 =	sshrl.u32 @!p0 s19, $0x1  }
0x1c: {  	s19 =	smul.u32 @!p0 $0x3, s19;
	_ =	sdelay $0x1  }
0x1d: {  	s31 =	sadd.s32 $0xFFFFFFFF, s17;
	s20 =	sshrl.u32 @!p0 s16, $0x3;
	s19 =	ssub.s32 @!p0 s17, s19  }
0x1e: {  	s21 =	sand.u32 @!p0 $0x7, s16;
	s20 =	sadd.s32 @!p0 s4, s20;
	s19 =	sshll.u32 @!p0 s19, $0x9  }
0x1f: {  	[tilespmem:s19], [sflag:$0x2] =	stream.linear.gather @!p0 [hbm4b:s20+s21], $0x200, $0x38;
	[tilespmem:$0xB00] =	vst v63  }
0x20: {  	p0 =	sge.u32 s31, s9  }
.Ltmp2:
0x21: {  	_ = 	snop;
	(pc) =	sbr.rel @p0 .LBB2_5-.Ltmp2, $1  }
0x22: {  	_ =	sdelay $0x3  }
0x23: {  	s19 =	smulhi.u32 $0xAAAAAAAB, s14;
	_ =	sdelay $0x1  }
0x24: {  	s19 =	sshrl.u32 s19, $0x1  }
0x25: {  	s19 =	smul.u32 $0xFFFFE800, s19;
	_ =	sdelay $0x1  }
0x26: {  	_ =	swait.ge [sflag:s7], $0x200;
	s19 =	sshra.s32 s19, $0x2  }
0x27: {  	[sflag:s7] =	ssyncset.done $0x0;
	s20 =	sadd.s32 s19, s13  }
0x28: {  	[sflag:s7] =	ssyncadd.s32 $0xFFFFFE00;
	(ifvalue) =	ssetifvalue $0x7FFFFFFF;
	v1 =	vld.msk [tilespmem:s20+$0x0 ss:$0x1], $0xffff  }
0x29: {  	s21 =	sadd.s32 $0x10, s20  }
0x2a: {  	v2 =	vld.msk [tilespmem:s21+$0x0 ss:$0x1], $0xffff;
	_ =	sdelay $0x1  }
0x2b: {  	s19 =	ssub.s32 $0x4E20, s15  }
0x2c: {  	p0 =	slt.s32 s19, $0x200;
	vm1 =	vgt.s32 v1, $0x0  }
0x2d: {  	s19 =	simm.s32 @!p0 $0x200;
	v1 =	vnsel vm1, $0x0, v1  }
0x2e: {  	p0 =	sgt.s32 s19, $0x0;
	s22 =	smov.u32 s19;
	vm1 =	vgt.s32 v2, $0x0;
	v1 =	vmin.u32 v1, $0x4E1F  }
0x2f: {  	s22 =	simm.s32 @!p0 $0x0;
	v2 =	vnsel vm1, $0x0, v2;
	v4 =	vshll.u32 v1, $0x2  }
0x30: {  	s22 =	smin.u32 s22, $0x10;
	v3 =	vshrl.u32 v1, $0x7;
	v1 =	vand.u32 $0x7E00, v1;
	v4 =	vand.u32 $0x1FC, v4  }
0x31: {  	v5 =	vmin.u32 v2, $0x4E1F;
	v2 =	vmov s22;
	v1 =	vor.u32 v1, v4  }
0x32: {  	vm1 =	vgt.u32 v2, v0;
	v1 =	vshrl.u32 v1, $0x2  }
0x33: {  	s30 =	sshrl.u32 s12, $0x2;
	s23 =	sadd.s32 $0xFFFFFFF0, s19;
	v1 =	vnsel vm1, $0x7FFFFFFF, v1  }
0x34: {  	s19 =	sadd.s32 $0x10, s21;
	p0 =	sgt.s32 s23, $0x0;
	s25 =	smov.u32 s23;
	v3 =	vand.u32 $0x3, v3  }
0x35: {  	s31 =	sand.u32 $0x200, s30;
	s25 =	simm.s32 @!p0 $0x0;
	v2 =	vld.msk [tilespmem:s19+$0x0 ss:$0x1], $0xffff;
	v4 =	vshrl.u32 v5, $0x7;
	[tilespmem:s20+$0x0] =	vst v3;
	v3 =	vshll.u32 v5, $0x2  }
0x36: {  	s24 =	simm.s32 $0x30;
	s25 =	smin.u32 s25, $0x10;
	s22 =	sadd.s32 $0x600, s31;
	v5 =	vand.u32 $0x7E00, v5;
	v4 =	vand.u32 $0x3, v4;
	v6 =	vand.u32 $0x1FC, v3  }
0x37: {  	s20 =	sadd.s32 $0x10, s19;
	v3 =	vmov s25;
	[tilespmem:s21+$0x0] =	vst v4;
	v4 =	vor.u32 v5, v6;
	(ifvalue) =	ssetifvalue $0x7FFFFFFF;
	s21 =	sadd.s32 $0x10, s22  }
.LBB2_3:
0x38: {  	[tilespmem:s22], [sflag:$0x3] =	stream.indirect_vreg.gather [hbm4b:s2+s11], $0x1, v1, vm0, $0x4038;
	[tilespmem:$0xB00] =	vst v63  }
0x39: {  	s24 =	sadd.s32 $0x10, s24  }
0x3a: {  	vm1 =	vgt.s32 v2, $0x0;
	vm2 =	vgt.u32 v3, v0;
	v3 =	vshrl.u32 v4, $0x2;
	v1 =	vmovc v2;
	v2 =	vld.msk [tilespmem:s20+$0x0 ss:$0x1], $0xffff;
	p0 =	slt.u32 s24, $0x1F0  }
.Ltmp3:
0x3b: {  	s23 =	sadd.s32 $0xFFFFFFF0, s23;
	v4 =	vnsel vm1, $0x0, v1;
	v1 =	vnsel vm2, $0x7FFFFFFF, v3;
	(pc) =	sbr.rel @p0 .LBB2_3-.Ltmp3, $4  }
0x3c: {  	s25 =	smov.u32 s19;
	p1 =	sgt.s32 s23, $0x0;
	s26 =	smov.u32 s23;
	v3 =	vmin.u32 v4, $0x4E1F  }
0x3d: {  	s19 =	smov.u32 s20;
	s22 =	smov.u32 s21;
	s26 =	simm.s32 @!p1 $0x0;
	v4 =	vshrl.u32 v3, $0x7;
	v5 =	vshll.u32 v3, $0x2  }
0x3e: {  	s26 =	smin.u32 s26, $0x10;
	v6 =	vand.u32 $0x3, v4;
	v4 =	vand.u32 $0x7E00, v3;
	v5 =	vand.u32 $0x1FC, v5  }
0x3f: {  	s20 =	sadd.s32 $0x10, s20;
	s21 =	sadd.s32 $0x10, s21;
	v3 =	vmov s26;
	v4 =	vor.u32 v4, v5;
	[tilespmem:s25+$0x0] =	vst v6;
	(ifvalue) =	ssetifvalue $0x7FFFFFFF  }
0x40: {  	v5 =	vld.msk [tilespmem:s20+$0x0 ss:$0x1], $0xffff;
	_ =	sdelay $0x1  }
0x41: {  	s23 =	sadd.s32 $0xFFFFFFF0, s23;
	vm1 =	vgt.s32 v2, $0x0  }
0x42: {  	p0 =	sgt.s32 s23, $0x0;
	s24 =	smov.u32 s23;
	v2 =	vnsel vm1, $0x0, v2;
	vm1 =	vgt.u32 v3, v0;
	v3 =	vshrl.u32 v4, $0x2  }
0x43: {  	s24 =	simm.s32 @!p0 $0x0;
	v2 =	vmin.u32 v2, $0x4E1F;
	v3 =	vnsel vm1, $0x7FFFFFFF, v3  }
0x44: {  	s24 =	smin.u32 s24, $0x10;
	v60 =	vshll.u32 v2, $0x2;
	v7 =	vand.u32 $0x7E00, v2;
	vm1 =	vgt.s32 v5, $0x0  }
0x45: {  	s23 =	sadd.s32 $0xFFFFFFF0, s23;
	v2 =	vshrl.u32 v2, $0x7;
	v6 =	vmov s24;
	v5 =	vnsel vm1, $0x0, v5  }
0x46: {  	p0 =	sgt.s32 s23, $0x0;
	v4 =	vand.u32 $0x1FC, v60;
	v2 =	vand.u32 $0x3, v2;
	v5 =	vmin.u32 v5, $0x4E1F  }
0x47: {  	s23 =	simm.s32 @!p0 $0x0;
	v4 =	vor.u32 v7, v4;
	vm1 =	vgt.u32 v6, v0;
	v61 =	vshll.u32 v5, $0x2  }
0x48: {  	s23 =	smin.u32 s23, $0x10;
	v4 =	vshrl.u32 v4, $0x2;
	v62 =	vand.u32 $0x7E00, v5;
	v6 =	vand.u32 $0x1FC, v61  }
0x49: {  	v63 =	vmov s23;
	v4 =	vnsel vm1, $0x7FFFFFFF, v4;
	v6 =	vor.u32 v62, v6  }
0x4a: {  	[tilespmem:s22], [sflag:$0x3] =	stream.indirect_vreg.gather [hbm4b:s2+s11], $0x1, v1, vm0, $0x4038;
	[tilespmem:s19+$0x0] =	vst v2;
	vm1 =	vgt.u32 v63, v0;
	v2 =	vshrl.u32 v6, $0x2  }
0x4b: {  	(ifvalue) =	ssetifvalue $0x7FFFFFFF;
	v1 =	vshrl.u32 v5, $0x7;
	v2 =	vnsel vm1, $0x7FFFFFFF, v2  }
0x4c: {  	[tilespmem:s21], [sflag:$0x3] =	stream.indirect_vreg.gather [hbm4b:s2+s11], $0x1, v3, vm0, $0x4038;
	v1 =	vand.u32 $0x3, v1;
	[tilespmem:$0xB00] =	vst v63  }
0x4d: {  	s31 =	sadd.s32 $0x10, s21;
	[tilespmem:s20+$0x0] =	vst v1;
	(ifvalue) =	ssetifvalue $0x7FFFFFFF  }
0x4e: {  	[tilespmem:s31], [sflag:$0x3] =	stream.indirect_vreg.gather [hbm4b:s2+s11], $0x1, v4, vm0, $0x4038;
	[tilespmem:$0xB00] =	vst v63  }
0x4f: {  	s19 =	sadd.s32 $0x10, s31;
	(ifvalue) =	ssetifvalue $0x7FFFFFFF  }
0x50: {  	[tilespmem:s19], [sflag:$0x3] =	stream.indirect_vreg.gather [hbm4b:s2+s11], $0x1, v2, vm0, $0x4038;
	[tilespmem:$0xB00] =	vst v63  }
.LBB2_5:
0x51: {  	p0 =	slt.u32 s17, $0x2  }
0x52: {  	p1 =	sge.u32 @!p0 s17, s10  }
0x53: {  	p0 =	por p0, p1  }
.Ltmp4:
0x54: {  	_ = 	snop;
	(pc) =	sbr.rel @p0 .LBB2_7-.Ltmp4, $1  }
0x55: {  	_ =	sdelay $0x3  }
0x56: {  	s19 =	sadd.s32 $0xFFFFFFFE, s17  }
0x57: {  	s20 =	smulhi.u32 $0xAAAAAAAB, s19  }
0x58: {  	_ =	swait.ge [sflag:s8], $0x200  }
0x59: {  	s21 =	sand.u32 $0x1, s17;
	[sflag:s8] =	ssyncset.done $0x0;
	s20 =	sshrl.u32 s20, $0x1  }
0x5a: {  	s28 =	sshll.u32 s21, $0x9;
	[sflag:s8] =	ssyncadd.s32 $0xFFFFFE00;
	s20 =	smul.u32 $0x3, s20  }
0x5b: {  	v1 =	vld [tilespmem:s28+$0x600]  }
0x5c: {  	v3 =	vld [tilespmem:s28+$0x680];
	s20 =	ssub.s32 s19, s20  }
0x5d: {  	v6 =	vld [tilespmem:s28+$0x700];
	s20 =	sshll.u32 s20, $0x9  }
0x5e: {  	v2 =	vld [tilespmem:s20+$0x0]  }
0x5f: {  	v4 =	vld [tilespmem:s20+$0x80]  }
0x60: {  	v5 =	vld [tilespmem:s20+$0x100]  }
0x61: {  	v7 =	vld [tilespmem:s20+$0x180];
	_ =	sdelay $0x1  }
0x62: {  	v8 =	vld [tilespmem:s28+$0x780]  }
0x63: {  	v2 =	vshll.u32 v2, $0x3;
	v4 =	vshll.u32 v4, $0x3  }
0x64: {  	v1 =	vshrl.u32 v1, v2;
	v2 =	vshrl.u32 v3, v4;
	v3 =	vshll.u32 v5, $0x3  }
0x65: {  	v21 =	vshll.u32 v7, $0x3;
	v2 =	vshll.u32 v2, $0x8;
	v3 =	vshrl.u32 v6, v3  }
0x66: {  	v1 =	vand.u32 $0xFF, v1;
	v2 =	vand.u32 $0xFF00, v2;
	v3 =	vshll.u32 v3, $0x10  }
0x67: {  	v1 =	vor.u32 v1, v2;
	v2 =	vand.u32 $0xFF0000, v3;
	v3 =	vshrl.u32 v8, v21  }
0x68: {  	v1 =	vor.u32 v2, v1;
	v2 =	vshll.u32 v3, $0x18  }
0x69: {  	s21 =	sshll.u32 s21, $0x7;
	v1 =	vor.u32 v2, v1  }
0x6a: {  	[tilespmem:s21+$0xA00] =	vst v1  }
0x6b: {  	v1 =	vld [tilespmem:s28+$0x610]  }
0x6c: {  	v2 =	vld [tilespmem:s20+$0x10]  }
0x6d: {  	v3 =	vld [tilespmem:s28+$0x690]  }
0x6e: {  	v22 =	vld [tilespmem:s20+$0x90]  }
0x6f: {  	v23 =	vld [tilespmem:s20+$0x110]  }
0x70: {  	v24 =	vld [tilespmem:s28+$0x710]  }
0x71: {  	v25 =	vld [tilespmem:s20+$0x190];
	_ =	sdelay $0x1  }
0x72: {  	v26 =	vld [tilespmem:s28+$0x790]  }
0x73: {  	v2 =	vshll.u32 v2, $0x3;
	v4 =	vshll.u32 v22, $0x3  }
0x74: {  	v1 =	vshrl.u32 v1, v2;
	v2 =	vshrl.u32 v3, v4;
	v3 =	vshll.u32 v23, $0x3  }
0x75: {  	v27 =	vshll.u32 v25, $0x3;
	v2 =	vshll.u32 v2, $0x8;
	v3 =	vshrl.u32 v24, v3  }
0x76: {  	v1 =	vand.u32 $0xFF, v1;
	v2 =	vand.u32 $0xFF00, v2;
	v3 =	vshll.u32 v3, $0x10  }
0x77: {  	v1 =	vor.u32 v1, v2;
	v2 =	vand.u32 $0xFF0000, v3;
	v3 =	vshrl.u32 v26, v27  }
0x78: {  	v1 =	vor.u32 v2, v1;
	v2 =	vshll.u32 v3, $0x18  }
0x79: {  	v1 =	vor.u32 v2, v1  }
0x7a: {  	[tilespmem:s21+$0xA10] =	vst v1  }
0x7b: {  	v1 =	vld [tilespmem:s28+$0x620]  }
0x7c: {  	v2 =	vld [tilespmem:s20+$0x20]  }
0x7d: {  	v3 =	vld [tilespmem:s28+$0x6A0]  }
0x7e: {  	v28 =	vld [tilespmem:s20+$0xA0]  }
0x7f: {  	v29 =	vld [tilespmem:s20+$0x120]  }
0x80: {  	v30 =	vld [tilespmem:s28+$0x720]  }
0x81: {  	v31 =	vld [tilespmem:s20+$0x1A0];
	_ =	sdelay $0x1  }
0x82: {  	v32 =	vld [tilespmem:s28+$0x7A0]  }
0x83: {  	v2 =	vshll.u32 v2, $0x3;
	v4 =	vshll.u32 v28, $0x3  }
0x84: {  	v1 =	vshrl.u32 v1, v2;
	v2 =	vshrl.u32 v3, v4;
	v3 =	vshll.u32 v29, $0x3  }
0x85: {  	v33 =	vshll.u32 v31, $0x3;
	v2 =	vshll.u32 v2, $0x8;
	v3 =	vshrl.u32 v30, v3  }
0x86: {  	v1 =	vand.u32 $0xFF, v1;
	v2 =	vand.u32 $0xFF00, v2;
	v3 =	vshll.u32 v3, $0x10  }
0x87: {  	v1 =	vor.u32 v1, v2;
	v2 =	vand.u32 $0xFF0000, v3;
	v3 =	vshrl.u32 v32, v33  }
0x88: {  	v1 =	vor.u32 v2, v1;
	v2 =	vshll.u32 v3, $0x18  }
0x89: {  	v1 =	vor.u32 v2, v1  }
0x8a: {  	[tilespmem:s21+$0xA20] =	vst v1  }
0x8b: {  	v1 =	vld [tilespmem:s28+$0x630]  }
0x8c: {  	v2 =	vld [tilespmem:s20+$0x30]  }
0x8d: {  	v3 =	vld [tilespmem:s28+$0x6B0]  }
0x8e: {  	v34 =	vld [tilespmem:s20+$0xB0]  }
0x8f: {  	v35 =	vld [tilespmem:s20+$0x130]  }
0x90: {  	v36 =	vld [tilespmem:s28+$0x730]  }
0x91: {  	v37 =	vld [tilespmem:s20+$0x1B0];
	_ =	sdelay $0x1  }
0x92: {  	v38 =	vld [tilespmem:s28+$0x7B0]  }
0x93: {  	v2 =	vshll.u32 v2, $0x3;
	v4 =	vshll.u32 v34, $0x3  }
0x94: {  	v1 =	vshrl.u32 v1, v2;
	v2 =	vshrl.u32 v3, v4;
	v3 =	vshll.u32 v35, $0x3  }
0x95: {  	v39 =	vshll.u32 v37, $0x3;
	v2 =	vshll.u32 v2, $0x8;
	v3 =	vshrl.u32 v36, v3  }
0x96: {  	v1 =	vand.u32 $0xFF, v1;
	v2 =	vand.u32 $0xFF00, v2;
	v3 =	vshll.u32 v3, $0x10  }
0x97: {  	v1 =	vor.u32 v1, v2;
	v2 =	vand.u32 $0xFF0000, v3;
	v3 =	vshrl.u32 v38, v39  }
0x98: {  	v1 =	vor.u32 v2, v1;
	v2 =	vshll.u32 v3, $0x18  }
0x99: {  	v1 =	vor.u32 v2, v1  }
0x9a: {  	[tilespmem:s21+$0xA30] =	vst v1  }
0x9b: {  	v1 =	vld [tilespmem:s28+$0x640]  }
0x9c: {  	v2 =	vld [tilespmem:s20+$0x40]  }
0x9d: {  	v3 =	vld [tilespmem:s28+$0x6C0]  }
0x9e: {  	v40 =	vld [tilespmem:s20+$0xC0]  }
0x9f: {  	v41 =	vld [tilespmem:s20+$0x140]  }
0xa0: {  	v42 =	vld [tilespmem:s28+$0x740]  }
0xa1: {  	v43 =	vld [tilespmem:s20+$0x1C0];
	_ =	sdelay $0x1  }
0xa2: {  	v44 =	vld [tilespmem:s28+$0x7C0]  }
0xa3: {  	v2 =	vshll.u32 v2, $0x3;
	v4 =	vshll.u32 v40, $0x3  }
0xa4: {  	v1 =	vshrl.u32 v1, v2;
	v2 =	vshrl.u32 v3, v4;
	v3 =	vshll.u32 v41, $0x3  }
0xa5: {  	v45 =	vshll.u32 v43, $0x3;
	v2 =	vshll.u32 v2, $0x8;
	v3 =	vshrl.u32 v42, v3  }
0xa6: {  	v1 =	vand.u32 $0xFF, v1;
	v2 =	vand.u32 $0xFF00, v2;
	v3 =	vshll.u32 v3, $0x10  }
0xa7: {  	v1 =	vor.u32 v1, v2;
	v2 =	vand.u32 $0xFF0000, v3;
	v3 =	vshrl.u32 v44, v45  }
0xa8: {  	v1 =	vor.u32 v2, v1;
	v2 =	vshll.u32 v3, $0x18  }
0xa9: {  	v1 =	vor.u32 v2, v1  }
0xaa: {  	[tilespmem:s21+$0xA40] =	vst v1  }
0xab: {  	v1 =	vld [tilespmem:s28+$0x650]  }
0xac: {  	v2 =	vld [tilespmem:s20+$0x50]  }
0xad: {  	v3 =	vld [tilespmem:s28+$0x6D0]  }
0xae: {  	v46 =	vld [tilespmem:s20+$0xD0]  }
0xaf: {  	v47 =	vld [tilespmem:s20+$0x150]  }
0xb0: {  	v48 =	vld [tilespmem:s28+$0x750]  }
0xb1: {  	v49 =	vld [tilespmem:s20+$0x1D0];
	_ =	sdelay $0x1  }
0xb2: {  	v50 =	vld [tilespmem:s28+$0x7D0]  }
0xb3: {  	v2 =	vshll.u32 v2, $0x3;
	v4 =	vshll.u32 v46, $0x3  }
0xb4: {  	v1 =	vshrl.u32 v1, v2;
	v2 =	vshrl.u32 v3, v4;
	v3 =	vshll.u32 v47, $0x3  }
0xb5: {  	v51 =	vshll.u32 v49, $0x3;
	v2 =	vshll.u32 v2, $0x8;
	v3 =	vshrl.u32 v48, v3  }
0xb6: {  	v1 =	vand.u32 $0xFF, v1;
	v2 =	vand.u32 $0xFF00, v2;
	v3 =	vshll.u32 v3, $0x10  }
0xb7: {  	v1 =	vor.u32 v1, v2;
	v2 =	vand.u32 $0xFF0000, v3;
	v3 =	vshrl.u32 v50, v51  }
0xb8: {  	v1 =	vor.u32 v2, v1;
	v2 =	vshll.u32 v3, $0x18  }
0xb9: {  	v1 =	vor.u32 v2, v1  }
0xba: {  	[tilespmem:s21+$0xA50] =	vst v1  }
0xbb: {  	v1 =	vld [tilespmem:s28+$0x660]  }
0xbc: {  	v2 =	vld [tilespmem:s20+$0x60]  }
0xbd: {  	v3 =	vld [tilespmem:s28+$0x6E0]  }
0xbe: {  	v52 =	vld [tilespmem:s20+$0xE0]  }
0xbf: {  	v53 =	vld [tilespmem:s20+$0x160]  }
0xc0: {  	v54 =	vld [tilespmem:s28+$0x760]  }
0xc1: {  	v55 =	vld [tilespmem:s20+$0x1E0];
	_ =	sdelay $0x1  }
0xc2: {  	v56 =	vld [tilespmem:s28+$0x7E0]  }
0xc3: {  	v2 =	vshll.u32 v2, $0x3;
	v4 =	vshll.u32 v52, $0x3  }
0xc4: {  	v1 =	vshrl.u32 v1, v2;
	v2 =	vshrl.u32 v3, v4;
	v3 =	vshll.u32 v53, $0x3  }
0xc5: {  	v57 =	vshll.u32 v55, $0x3;
	v2 =	vshll.u32 v2, $0x8;
	v3 =	vshrl.u32 v54, v3  }
0xc6: {  	v1 =	vand.u32 $0xFF, v1;
	v2 =	vand.u32 $0xFF00, v2;
	v3 =	vshll.u32 v3, $0x10  }
0xc7: {  	v1 =	vor.u32 v1, v2;
	v2 =	vand.u32 $0xFF0000, v3;
	v3 =	vshrl.u32 v56, v57  }
0xc8: {  	v1 =	vor.u32 v2, v1;
	v2 =	vshll.u32 v3, $0x18  }
0xc9: {  	v1 =	vor.u32 v2, v1  }
0xca: {  	[tilespmem:s21+$0xA60] =	vst v1  }
0xcb: {  	v1 =	vld [tilespmem:s28+$0x670]  }
0xcc: {  	v2 =	vld [tilespmem:s20+$0x70]  }
0xcd: {  	v3 =	vld [tilespmem:s28+$0x6F0]  }
0xce: {  	v58 =	vld [tilespmem:s20+$0xF0]  }
0xcf: {  	v59 =	vld [tilespmem:s20+$0x170]  }
0xd0: {  	v60 =	vld [tilespmem:s28+$0x770]  }
0xd1: {  	v61 =	vld [tilespmem:s20+$0x1F0];
	_ =	sdelay $0x1  }
0xd2: {  	v62 =	vld [tilespmem:s28+$0x7F0]  }
0xd3: {  	v2 =	vshll.u32 v2, $0x3;
	v4 =	vshll.u32 v58, $0x3  }
0xd4: {  	v1 =	vshrl.u32 v1, v2;
	v2 =	vshrl.u32 v3, v4;
	v3 =	vshll.u32 v59, $0x3  }
0xd5: {  	v63 =	vshll.u32 v61, $0x3;
	v3 =	vshrl.u32 v60, v3;
	v2 =	vshll.u32 v2, $0x8  }
0xd6: {  	v1 =	vand.u32 $0xFF, v1;
	v2 =	vand.u32 $0xFF00, v2;
	v3 =	vshll.u32 v3, $0x10  }
.Ltmp5:
0xd7: {  	v1 =	vor.u32 v1, v2;
	v2 =	vshrl.u32 v62, v63;
	v3 =	vand.u32 $0xFF0000, v3;
	(pc) =	sbr.rel .LBB2_7-.Ltmp5, $4  }
0xd8: {  	v1 =	vor.u32 v3, v1;
	v2 =	vshll.u32 v2, $0x18  }
0xd9: {  	s29 =	sshrl.u32 s18, $0x2;
	s30 =	sshrl.u32 s18, $0x5;
	v1 =	vor.u32 v2, v1  }
0xda: {  	s18 =	sadd.s32 s30, s6;
	s31 =	sor.u32 $0xA00, s21;
	s19 =	sand.u32 $0x7, s29;
	[tilespmem:s21+$0xA70] =	vst v1  }
0xdb: {  	[hbm4b:s18+s19] =	stream.linear.scatter [tilespmem:s31], [sflag:$0x4], $0x80, $0x38;
	[tilespmem:$0xB00] =	vst v63  }
.LBB2_8:
0xdc: {  	_ =	sfence.sel $0x180000  }
0xdd: {  	s2 =	simm.s32 $0x2;
	[bflag:$0x0] =	sbarrier.arrive $0xFFFF  }
0xde: {  	s29 =	simm.s32 $0x3;
	[sflag:s2] =	ssyncpa.u1 $0x1  }
0xdf: {  	s30 =	simm.s32 $0x4;
	[sflag:s29] =	ssyncpa.u1 $0x1  }
0xe0: {  	s31 =	simm.s32 $0x1;
	[sflag:s30] =	ssyncpa.u1 $0x1  }
0xe1: {  	[sflag:s31] =	ssyncpa.u1 $0x1  }
0xe2: {  	p0 =	sne.s32 s0, $0x0;
	_ =	strace $0x90000047  }
0xe3: {  	s0 =	sadd.s32 @!p0 $0x100000, s1;
	[bflag:$0x2] =	sbarrier.arrive $0xFFFF  }
0xe4: {  	[sflag:s0] =	ssyncadd.tile.s32 @!p0 $0x1;
	_ =	shalt  }
.Lfunc_end2:
_tile_overlayer_lowered:
.L_overlay_start_2:
0xe5: {  	(tag) =	ssettag $0x2  }
0xe6: {  	s0 =	rddreg [dreg:$0x0];
	s2 =	stileid.u32  }
0xe7: {  	s1 =	rddreg [dreg:$0x1];
	p0 =	sne.s32 s2, $0x0  }
0xe8: {  	s3 =	rddreg [dreg:$0x2];
	[bflag:$0x3] =	sbarrier.arrive $0xFFFF;
	s2 =	simm.s32 @!p0 $0x1C01  }
0xe9: {  	[timem:s3], [sflag:s2] =	dma.local @!p0 [hbm:s0], s1  }
0xea: {  	s0 =	simm.s32 @!p0 $0x1  }
0xeb: {  	_ =	swait.ge @!p0 [sflag:s0], s1  }
0xec: {  	s1 =	ssub.s32 @!p0 $0x0, s1;
	[sflag:s0] =	ssyncset.done @!p0 $0x0  }
0xed: {  	[sflag:s0] =	ssyncadd.s32 @!p0 s1  }
0xee: {  	[bflag:$0x3] =	sbarrier.arrive $0xFFFF  }
0xef: {  	_ =	shalt  }

// kernel: gather_offload_async_start
scs
__scs_entry_jumppad:
0x0: {  	(pc) =	sbr.rel $0x88, $3  }
0x1: {  	(tag) =	ssettag $0x0;
	lr =	simm.s32 $0x1  }
0x2: {  	[smem:$0x3F9F] =	sst lr;
	_ =	strace $0xD0000000  }
0x3: {  	_ = 	snop  }
0x4: {  	_ = 	snop  }
0x5: {  	_ = 	snop  }
0x6: {  	_ = 	snop  }
0x7: {  	_ = 	snop  }
__scs_overlays_trampoline_lowered:
0x8: {  	[smem:$0x3FAE] =	sst s0  }
0x9: {  	[smem:$0x3FAF] =	sst s1  }
0xa: {  	[smem:$0x3FB0] =	sst s2  }
0xb: {  	[smem:$0x3FB1] =	sst s3  }
0xc: {  	[smem:$0x3FB2] =	sst s4  }
0xd: {  	[smem:$0x3FB3] =	sst s5  }
0xe: {  	[smem:$0x3FB4] =	sst s6  }
0xf: {  	[smem:$0x3FB5] =	sst s7  }
0x10: {  	[smem:$0x3FB6] =	sst s8  }
0x11: {  	[smem:$0x3FB7] =	sst s9;
	s0 =	simm.s32 @!p0 $0x0  }
0x12: {  	s1 =	sld [smem:$0x3F9D];
	s0 =	simm.s32 @p0 $0x1  }
0x13: {  	[smem:$0x3FB8] =	sst s0;
	s0 =	simm.s32 @!p1 $0x0  }
0x14: {  	s2 =	sld [smem:$0x3F9C];
	s0 =	simm.s32 @p1 $0x1  }
0x15: {  	[smem:$0x3FB9] =	sst s0;
	s0 =	simm.s32 @!p2 $0x0  }
0x16: {  	s3 =	sld [smem:$0x3FDB];
	s0 =	simm.s32 @p2 $0x1  }
0x17: {  	s4 =	simm.s32 $0x1BF5;
	[smem:$0x3FBB] =	sst s0  }
0x18: {  	s0 =	sld [smem:$0x3F9E];
	_ =	swait.ge [sflag:s4], $0x0  }
0x19: {  	s7 =	sld [smem:$0x3F9F]  }
0x1a: {  	s8 =	sadd.s32 $0xFFFFE003, lr  }
0x1b: {  	s9 =	sadd.s32 $0xFFFFFEF7, lr;
	s5 =	simm.s32 $0xFFFFFFFF;
	p2 =	slt.u32 s8, $0xFFFFF086  }
0x1c: {  	p1 =	slt.u32 s9, $0xF7A;
	s5 =	simm.s32 @!p2 $0x0  }
0x1d: {  	s5 =	simm.s32 @p1 $0x1;
	p0 =	seq.s32 s7, s2  }
0x1e: {  	s7 =	smul.u32 @!p0 $0xF7A, s2;
	p2 =	seq.s32 @!p0 s5, $0x0  }
0x1f: {  	s9 =	smul.u32 $0xF7A, s1;
	s8 =	simm.s32 @!p0 $0x1BF5;
	p2 =	por !p2, p0  }
0x20: {  	[sflag:s8] =	ssyncset.s32 @!p0 $0xFFFFF086;
	s6 =	sadd.s32 @!p0 s3, s7;
	s7 =	simm.s32 @!p0 $0x108  }
0x21: {  	s3 =	sadd.s32 s3, s9;
	s6 =	sadd.s32 @!p0 $0x88, s6;
	s7 =	simm.s32 @p2 $0x1082  }
0x22: {  	[simem:s7], [sflag:s8] =	dma.local @!p0 [hbm:s6], $0xF7A  }
0x23: {  	s9 =	sor.u32 $0xD0000000, s2;
	s6 =	simm.s32 $0x108;
	_ =	swait.ge @!p0 [sflag:s8], $0x0  }
0x24: {  	s3 =	sadd.s32 $0x88, s3;
	s6 =	simm.s32 @!p1 $0x1082;
	[sflag:s4] =	ssyncset.s32 $0xFFFFF086  }
0x25: {  	[simem:s6], [sflag:s4] =	dma.local [hbm:s3], $0xF7A  }
0x26: {  	[smem:$0x3F9F] =	sst s1;
	(tag) =	ssettag s2;
	_ =	strace s9  }
0x27: {  	s1 =	sld [smem:$0x3FAF]  }
0x28: {  	s2 =	sld [smem:$0x3FB0]  }
0x29: {  	s4 =	sld [smem:$0x3FB2]  }
0x2a: {  	p0 =	seq.s32 s5, $0x0;
	s5 =	sld [smem:$0x3FB3]  }
0x2b: {  	s6 =	sld [smem:$0x3FB4]  }
0x2c: {  	s7 =	sld [smem:$0x3FB5]  }
0x2d: {  	s3 =	simm.s32 $0x108;
	s8 =	sld [smem:$0x3FB6]  }
0x2e: {  	s3 =	simm.s32 @!p0 $0x1082;
	s9 =	sld [smem:$0x3FB7]  }
0x2f: {  	lr =	sadd.s32 s0, s3;
	s0 =	sld [smem:$0x3FAE]  }
0x30: {  	s3 =	sld [smem:$0x3FB1]  }
0x31: {  	[smem:$0x3FBA] =	sst s10  }
0x32: {  	s10 =	sld [smem:$0x3FB8];
	_ =	sdelay $0x3  }
0x33: {  	p0 =	seq.s32 s10, $0x1;
	s10 =	sld [smem:$0x3FBA];
	_ =	sdelay $0x3  }
0x34: {  	[smem:$0x3FBA] =	sst s10  }
0x35: {  	s10 =	sld [smem:$0x3FB9];
	_ =	sdelay $0x3  }
0x36: {  	p1 =	seq.s32 s10, $0x1;
	s10 =	sld [smem:$0x3FBA];
	_ =	sdelay $0x3  }
0x37: {  	[smem:$0x3FBA] =	sst s10  }
0x38: {  	s10 =	sld [smem:$0x3FBB]  }
0x39: {  	_ = 	snop;
	(pc) =	sbr.ind lr, $3  }
0x3a: {  	_ = 	snop  }
0x3b: {  	_ = 	snop  }
0x3c: {  	p2 =	seq.s32 s10, $0x1;
	s10 =	sld [smem:$0x3FBA]  }
0x3d: {  	_ =	shalt  }
0x3e: {  	_ =	shalt  }
0x3f: {  	_ =	shalt  }
0x40: {  	_ =	shalt  }
0x41: {  	_ =	shalt  }
0x42: {  	_ =	shalt  }
0x43: {  	_ =	shalt  }
0x44: {  	_ =	shalt  }
0x45: {  	_ =	shalt  }
0x46: {  	_ =	shalt  }
0x47: {  	_ =	shalt  }
0x48: {  	_ =	shalt  }
0x49: {  	_ =	shalt  }
0x4a: {  	_ =	shalt  }
0x4b: {  	_ =	shalt  }
0x4c: {  	_ =	shalt  }
0x4d: {  	_ =	shalt  }
0x4e: {  	_ =	shalt  }
0x4f: {  	_ =	shalt  }
0x50: {  	_ =	shalt  }
0x51: {  	_ =	shalt  }
0x52: {  	_ =	shalt  }
0x53: {  	_ =	shalt  }
0x54: {  	_ =	shalt  }
0x55: {  	_ =	shalt  }
0x56: {  	_ =	shalt  }
0x57: {  	_ =	shalt  }
0x58: {  	_ =	shalt  }
0x59: {  	_ =	shalt  }
0x5a: {  	_ =	shalt  }
0x5b: {  	_ =	shalt  }
0x5c: {  	_ =	shalt  }
0x5d: {  	_ =	shalt  }
0x5e: {  	_ =	shalt  }
0x5f: {  	_ =	shalt  }
0x60: {  	_ =	shalt  }
0x61: {  	_ =	shalt  }
0x62: {  	_ =	shalt  }
0x63: {  	_ =	shalt  }
0x64: {  	_ =	shalt  }
0x65: {  	_ =	shalt  }
0x66: {  	_ =	shalt  }
0x67: {  	_ =	shalt  }
0x68: {  	_ =	shalt  }
0x69: {  	_ =	shalt  }
0x6a: {  	_ =	shalt  }
0x6b: {  	_ =	shalt  }
0x6c: {  	_ =	shalt  }
0x6d: {  	_ =	shalt  }
0x6e: {  	_ =	shalt  }
0x6f: {  	_ =	shalt  }
0x70: {  	_ =	shalt  }
0x71: {  	_ =	shalt  }
0x72: {  	_ =	shalt  }
0x73: {  	_ =	shalt  }
0x74: {  	_ =	shalt  }
0x75: {  	_ =	shalt  }
0x76: {  	_ =	shalt  }
0x77: {  	_ =	shalt  }
0x78: {  	_ =	shalt  }
0x79: {  	_ =	shalt  }
0x7a: {  	_ =	shalt  }
0x7b: {  	_ =	shalt  }
0x7c: {  	_ =	shalt  }
0x7d: {  	_ =	shalt  }
0x7e: {  	_ =	shalt  }
0x7f: {  	_ =	shalt  }
0x80: {  	_ =	shalt  }
0x81: {  	_ =	shalt  }
0x82: {  	_ =	shalt  }
0x83: {  	_ =	shalt  }
0x84: {  	_ =	shalt  }
0x85: {  	_ =	shalt  }
0x86: {  	_ =	shalt  }
0x87: {  	_ =	shalt  }
.Lfunc_end0:
.L_simem_size_0:
called_computation_lowered:
.L_overlay_start_0:
0x88: {  	s2 =	sld [smem:$0x3FD9]  }
0x89: {  	s3 =	sld [smem:$0x3FFE];
	_ =	sdelay $0x1  }
0x8a: {  	s1 =	srdreg.scid  }
0x8b: {  	s0 =	sand.u32 $0x1, s1  }
0x8c: {  	s17 =	sshll.u32 s0, $0xA;
	s2 =	sadd.s32 s3, s2  }
0x8d: {  	s2 =	sadd.s32 s2, s17  }
0x8e: {  	[smem:$0x3FC6] =	sst s2  }
0x8f: {  	_ = 	snop  }
0x90: {  	s18 =	sld [smem:$0x3FD0];
	(tm) =	ssettm $0x1  }
0x91: {  	s19 =	sld [smem:$0x3FFB];
	_ =	sdelay $0x3  }
0x92: {  	_ =	strace s19  }
0x93: {  	s2 =	sld [smem:$0x3FFC];
	_ =	sdelay $0x3  }
0x94: {  	_ =	strace s2  }
0x95: {  	s2 =	sld [smem:$0x3FFD];
	_ =	sdelay $0x3  }
0x96: {  	_ =	strace s2  }
0x97: {  	_ =	strace $0x8FFFFFFF  }
0x98: {  	s20 =	sld [smem:$0x3FDB];
	_ =	sdelay $0x1  }
0x99: {  	s4 =	simm.s32 $_scs_section_size  }
0x9a: {  	s5 =	simm.s32 $_size__tile_overlayer_lowered;
	s6 =	simm.s32 $_tile_overlayer_lowered  }
0x9b: {  	s7 =	simm.s32 $0x1BFF;
	s21 =	sshll.u32 s6, $0x1;
	s4 =	sadd.s32 s4, s20  }
0x9c: {  	s22 =	simm.s32 $0x0;
	s5 =	sshll.u32 s5, $0x1;
	s6 =	sadd.s32 s21, s4  }
0x9d: {  	[timem:s22], [sflag:s7] =	dma.local [hbm:s6], s5  }
0x9e: {  	_ =	swait.ge [sflag:s7], s5  }
0x9f: {  	s5 =	ssub.s32 $0x0, s5;
	[sflag:s7] =	ssyncset.done $0x0  }
0xa0: {  	[sflag:s7] =	ssyncadd.s32 s5;
	_ =	sdelay $0x1  }
0xa1: {  	s23 =	simm.s32 $0x1B8B  }
0xa2: {  	_ =	swait.ge [sflag:s23], $0x1  }
0xa3: {  	[sflag:s23] =	ssyncset.done $0x0  }
0xa4: {  	[sflag:s23] =	ssyncadd.s32 $0xFFFFFFFF  }
0xa5: {  	s5 =	sld [smem:$0x0]  }
0xa6: {  	s6 =	sand.u32 $0xFFFFFFFE, s1  }
0xa7: {  	p0 =	sne.s32 s1, s6  }
0xa8: {  	s6 =	sshll.u32 @p0 s6, $0xE  }
0xa9: {  	s6 =	sadd.s32 @p0 $0x11B8D, s6;
	s7 =	sshll.u32 @p0 s5, $0x11  }
0xaa: {  	s6 =	sor.u32 @p0 s7, s6  }
0xab: {  	[sflag:s6] =	ssyncadd.remote.s32 @p0 $0x1;
	_ =	sdelay $0x1  }
0xac: {  	s6 =	simm.s32 @p0 $0x1B8D  }
0xad: {  	_ =	swait.eq @p0 [sflag:s6], $0x1  }
0xae: {  	[sflag:s6] =	ssyncadd.s32 @p0 $0xFFFFFFFF  }
0xaf: {  	s7 =	sshll.u32 @!p0 s1, $0xE  }
0xb0: {  	s7 =	sor.u32 @!p0 $0x4000, s7;
	s6 =	simm.s32 @!p0 $0x1B8D  }
0xb1: {  	s5 =	sshll.u32 @!p0 s5, $0x11;
	s7 =	sadd.s32 @!p0 $0x11B8D, s7;
	_ =	swait.eq @!p0 [sflag:s6], $0x1  }
0xb2: {  	s5 =	sor.u32 @!p0 s5, s7;
	[sflag:s6] =	ssyncadd.s32 @!p0 $0xFFFFFFFF  }
0xb3: {  	s25 =	simm.s32 $0x1B8E;
	s24 =	sld [smem:$0x3FFE];
	[sflag:s5] =	ssyncadd.remote.s32 @!p0 $0x1  }
0xb4: {  	s26 =	simm.s32 $execute0_lowered;
	[smem:$0x3FD2] =	sst s25  }
0xb5: {  	s6 =	sshll.u32 s26, $0x1;
	_ =	strace $0x80000049;
	[dreg:$0x1] =	wrdreg $0xFFFFFFFF  }
0xb6: {  	s28 =	simm.s32 $_size_execute0_lowered;
	s4 =	sadd.s32 s4, s6;
	[dreg:$0x0] =	wrdreg $0x0  }
0xb7: {  	s6 =	sshll.u32 s28, $0x1;
	[dreg:$0x2] =	wrdreg s4  }
0xb8: {  	[dreg:$0x3] =	wrdreg s6  }
0xb9: {  	[dreg:$0x4] =	wrdreg $0xC0  }
0xba: {  	_ =	task [dreg:s22], $0x5FFFF  }
0xbb: {  	[dreg:$0x1] =	wrdreg $0xFFFFFFFF  }
0xbc: {  	[dreg:$0x0] =	wrdreg $0x60  }
0xbd: {  	[dreg:$0x2] =	wrdreg s24  }
0xbe: {  	[dreg:$0x3] =	wrdreg s18  }
0xbf: {  	[dreg:$0x4] =	wrdreg $0x9  }
0xc0: {  	_ =	task.clear_ibuf [dreg:s22], $0x5FFFF;
	_ =	strace $0x90000049  }
0xc1: {  	s29 =	simm.s32 $0x9;
	_ =	strace $0x8000004B  }
0xc2: {  	_ =	swait.ge [sflag:s29], $0x1  }
0xc3: {  	[sflag:s29] =	ssyncadd.s32 $0xFFFFFFFF  }
0xc4: {  	_ =	strace $0x9000004B  }
0xc5: {  	_ =	sfence  }
0xc6: {  	s30 =	sld [smem:$0x0];
	_ =	sdelay $0x2  }
0xc7: {  	s31 =	sshll.u32 s1, $0xD;
	s1 =	sshrl.u32 s1, $0x2  }
0xc8: {  	s4 =	sand.u32 $0x4000, s31;
	s1 =	sadd.s32 s1, s30  }
0xc9: {  	s0 =	sor.u32 s4, s0;
	s1 =	sshll.u32 s1, $0x11  }
0xca: {  	s0 =	sor.u32 s1, s0  }
0xcb: {  	s0 =	sadd.s32 $0x8F2B, s0  }
0xcc: {  	[sflag:s0] =	ssyncadd.remote.s32 $0x1  }
0xcd: {  	_ =	sfence.sel $0xFFFF  }
0xce: {  	[dreg:$0x0] =	wrdreg $0xFFFFFFFF;
	(pc) =	sbr.abs _section_cstart, $3  }
0xcf: {  	[dreg:$0x1] =	wrdreg $0xFFFFFFFF  }
0xd0: {  	_ =	task.clear_ibuf [dreg:s22], $0x2FFFF;
	_ =	strace $0x9FFFFFFF  }
0xd1: {  	(tm) =	ssettm $0x7FFFFFFF  }
tec
execute0_lowered:
.L_overlay_start_1:
0x0: {  	(tag) =	ssettag $0x1  }
0x1: {  	s0 =	srdreg.scid  }
0x2: {  	s1 =	sshll.u32 s0, $0x4  }
0x3: {  	s0 =	stileid.u32;
	s1 =	sand.u32 $0x10, s1  }
0x4: {  	s2 =	sor.u32 s0, s1  }
0x5: {  	s1 =	smin.u32 s2, $0x12  }
0x6: {  	s1 =	sadd.s32 s2, s1  }
0x7: {  	p0 =	slt.u32 s2, $0x12;
	s2 =	simm.s32 $0x320;
	s1 =	smul.u32 $0x190, s1  }
0x8: {  	s2 =	simm.s32 @!p0 $0x190  }
0x9: {  	s2 =	sadd.s32 s2, s1  }
0xa: {  	s3 =	smin.u32 s2, $0x4E20  }
0xb: {  	s7 =	ssub.s32 s3, s1  }
0xc: {  	p0 =	sgt.s32 s7, $0x0  }
0xd: {  	s7 =	simm.s32 @!p0 $0x0  }
0xe: {  	s31 =	sand.u32 $0xFFF0, s7  }
0xf: {  	s2 =	sshrl.u32 s31, $0x4  }
0x10: {  	s9 =	rddreg [dreg:$0x0];
	s2 =	smul.u32 $0xA3E, s2  }
0x11: {  	s4 =	rddreg [dreg:$0x1];
	s6 =	simm.s32 $0x1  }
0x12: {  	s11 =	simm.s32 $0x3;
	s13 =	simm.s32 $0x0;
	s8 =	sshrl.u32 s2, $0x10  }
0x13: {  	s12 =	simm.s32 $0x0;
	s5 =	sadd.s32 $0x800, s9;
	s10 =	smul.u32 $0x190, s8  }
.Ltmp0:
0x14: {  	s9 =	sadd.s32 $0x4EA00, s9;
	s2 =	rddreg [dreg:$0x2];
	(pc) =	sbr.rel .LBB2_1-.Ltmp0, $4  }
0x15: {  	_ =	strace $0x8000004A;
	p0 =	sne.s32 s7, s10;
	s10 =	simm.s32 $0x1  }
0x16: {  	[sflag:s6] =	ssyncpa.u1 $0x0;
	s7 =	simm.s32 $0x2;
	s10 =	simm.s32 @!p0 $0x0  }
0x17: {  	[sflag:s7] =	ssyncpa.u1 $0x0;
	p0 =	por $0x0, $0x0;
	s8 =	sadd.s32 s8, s10  }
0x18: {  	vm0 =	vmmov $0xff;
	vm1 =	vcmask $0x3F20;
	[sflag:s11] =	ssyncpa.u1 $0x0;
	s11 =	smov.u32 s1;
	s10 =	sadd.s32 $0x1, s8  }
.LBB2_6:
0x19: {  	[hbm:s17] =	stream.linear.scatter [tilespmem:s14], [sflag:$0x3], $0x400, $0x38;
	[tilespmem:$0x19320] =	vst v63  }
.LBB2_7:
0x1a: {  	s13 =	sadd.s32 $0x190, s11  }
0x1b: {  	s15 =	smov.u32 s1;
	p2 =	slt.s32 s13, s3  }
0x1c: {  	s15 =	smov.u32 @p2 s13;
	p2 =	sne.s32 s12, s10  }
.Ltmp1:
0x1d: {  	p1 =	slt.u32 s12, $0x2;
	(pc) =	sbr.rel @!p2 .LBB2_8-.Ltmp1, $4  }
0x1e: {  	s14 =	simm.s32 @!p1 $0x3  }
0x1f: {  	s16 =	sadd.s32 $0x1, s12;
	_ =	swait.ge @!p1 [sflag:s14], $0xC800  }
0x20: {  	p0 =	por !p0, !p0;
	s13 =	smov.u32 s11;
	[sflag:s14] =	ssyncset.done @!p1 $0x0  }
0x21: {  	s12 =	smov.u32 s16;
	s11 =	smov.u32 s15;
	[sflag:s14] =	ssyncadd.s32 @!p1 $0xFFFF3800  }
.LBB2_1:
0x22: {  	p1 =	sge.u32 s12, s8  }
0x23: {  	s14 =	sxor.u32 @!p1 $0xFFFFFFFF, s12  }
0x24: {  	s14 =	sand.u32 @!p1 $0x1, s14  }
0x25: {  	s14 =	smul.u32 @!p1 $0x640, s14  }
0x26: {  	s31 =	sadd.s32 $0xFFFFFFFF, s12;
	s15 =	sshrl.u32 @!p1 s11, $0x3  }
0x27: {  	s16 =	sand.u32 @!p1 $0x7, s11;
	s15 =	sadd.s32 @!p1 s4, s15;
	s14 =	sshrl.u32 @!p1 s14, $0x2  }
0x28: {  	[tilespmem:s14], [sflag:$0x2] =	stream.linear.gather @!p1 [hbm4b:s15+s16], $0x190, $0x38;
	[tilespmem:$0x19320] =	vst v63  }
0x29: {  	p1 =	sge.u32 s31, s8  }
.Ltmp2:
0x2a: {  	_ = 	snop;
	(pc) =	sbr.rel @p1 .LBB2_7-.Ltmp2, $1  }
0x2b: {  	_ =	sdelay $0x3  }
0x2c: {  	s14 =	simm.s32 $0x1  }
0x2d: {  	s14 =	simm.s32 @!p0 $0x0  }
0x2e: {  	s15 =	smul.u32 $0x640, s14  }
0x2f: {  	_ =	swait.ge [sflag:s7], $0x190  }
0x30: {  	[sflag:s7] =	ssyncset.done $0x0;
	s16 =	sshrl.u32 s15, $0x2  }
0x31: {  	[sflag:s7] =	ssyncadd.s32 $0xFFFFFE70;
	s15 =	sadd.s32 $0x0, s16  }
0x32: {  	v0 =	vld.msk [tilespmem:s15+$0x0 ss:$0x1], $0xffff;
	_ =	sdelay $0x4  }
0x33: {  	vm2 =	vgt.s32 v0, $0x0  }
0x34: {  	v0 =	vnsel vm2, $0x0, v0  }
0x35: {  	v0 =	vmin.u32 v0, $0x4E1F  }
0x36: {  	v0 =	vshll.u32 v0, $0x4  }
0x37: {  	s14 =	smul.u32 $0x32000, s14;
	_ =	sdelay $0x1  }
0x38: {  	s14 =	sshrl.u32 s14, $0x2  }
0x39: {  	s14 =	sor.u32 $0x320, s14  }
0x3a: {  	[tilespmem:s14], [sflag:$0x1] =	stream.indirect_vreg.gather [hbm:s5], $0x80, v0, vm0, $0x38;
	[tilespmem:$0x19320] =	vst v63  }
0x3b: {  	s17 =	sadd.s32 $0x10, s16;
	s15 =	sadd.s32 $0x400, s14  }
0x3c: {  	[tilespmem:s15], [sflag:$0x1] =	stream.indirect_vreg.gather [hbm:s5], $0x80, v0, vm1, $0x38;
	[tilespmem:$0x19320] =	vst v63  }
0x3d: {  	s18 =	simm.s32 $0x80;
	v0 =	vld.msk [tilespmem:s17+$0x0 ss:$0x1], $0xffff;
	s17 =	smov.u32 s14  }
.LBB2_3:
0x3e: {  	p1 =	sne.s32 s18, $0x600;
	_ =	sdelay $0x4  }
0x3f: {  	vm2 =	vgt.s32 v0, $0x0  }
0x40: {  	v0 =	vnsel vm2, $0x0, v0  }
0x41: {  	v0 =	vmin.u32 v0, $0x4E1F  }
0x42: {  	v0 =	vshll.u32 v0, $0x4;
	_ =	sdelay $0x3  }
.Ltmp3:
0x43: {  	s19 =	sshra.s32 s18, $0x2;
	s17 =	sadd.s32 $0x800, s17;
	(pc) =	sbr.rel @p1 .LBB2_3-.Ltmp3, $4  }
0x44: {  	[tilespmem:s17], [sflag:$0x1] =	stream.indirect_vreg.gather [hbm:s5], $0x80, v0, vm0, $0x38;
	[tilespmem:$0x19320] =	vst v63  }
0x45: {  	s19 =	sadd.s32 s19, s16;
	s20 =	sadd.s32 $0x400, s17  }
0x46: {  	[tilespmem:s20], [sflag:$0x1] =	stream.indirect_vreg.gather [hbm:s5], $0x80, v0, vm1, $0x38;
	[tilespmem:$0x19320] =	vst v63  }
0x47: {  	s18 =	sadd.s32 $0x40, s18;
	v0 =	vld.msk [tilespmem:s19+$0x0 ss:$0x1], $0xffff  }
0x48: {  	_ =	sdelay $0x3  }
0x49: {  	vm2 =	vgt.s32 v0, $0x0  }
0x4a: {  	v0 =	vnsel vm2, $0x0, v0  }
0x4b: {  	v0 =	vmin.u32 v0, $0x4E1F  }
0x4c: {  	v0 =	vshll.u32 v0, $0x4;
	_ =	sdelay $0x3  }
0x4d: {  	s16 =	sadd.s32 $0x800, s17  }
0x4e: {  	[tilespmem:s16], [sflag:$0x1] =	stream.indirect_vreg.gather [hbm:s5], $0x80, v0, vm0, $0x38;
	[tilespmem:$0x19320] =	vst v63  }
0x4f: {  	s16 =	sadd.s32 $0x400, s16  }
0x50: {  	[tilespmem:s16], [sflag:$0x1] =	stream.indirect_vreg.gather [hbm:s5], $0x80, v0, vm1, $0x38;
	[tilespmem:$0x19320] =	vst v63  }
0x51: {  	s13 =	sshll.u32 s13, $0x4;
	_ =	swait.ge [sflag:s6], $0xC800  }
0x52: {  	s13 =	sadd.s32 s13, s9;
	[sflag:s6] =	ssyncset.done $0x0  }
0x53: {  	s17 =	sadd.s32 $0x0, s13;
	s16 =	simm.s32 $0x80;
	[sflag:s6] =	ssyncadd.s32 $0xFFFF3800  }
.LBB2_5:
0x54: {  	[hbm:s17] =	stream.linear.scatter [tilespmem:s14], [sflag:$0x3], $0x400, $0x38;
	[tilespmem:$0x19320] =	vst v63  }
0x55: {  	s17 =	smov.u32 s16;
	s14 =	smov.u32 s15;
	p1 =	sne.s32 s16, $0x1880  }
.Ltmp4:
0x56: {  	s16 =	sadd.s32 $0x80, s16;
	(pc) =	sbr.rel @p1 .LBB2_5-.Ltmp4, $2  }
0x57: {  	_ =	sdelay $0x2  }
0x58: {  	s15 =	sadd.s32 $0x400, s15;
	s17 =	sadd.s32 s17, s13  }
.Ltmp5:
0x59: {  	_ = 	snop;
	(pc) =	sbr.rel .LBB2_6-.Ltmp5, $1  }
0x5a: {  	_ =	sdelay $0x3  }
.LBB2_8:
0x5b: {  	_ =	sfence.sel $0x180000  }
0x5c: {  	s1 =	simm.s32 $0x2;
	[bflag:$0x0] =	sbarrier.arrive $0xFFFF  }
0x5d: {  	s30 =	simm.s32 $0x3;
	[sflag:s1] =	ssyncpa.u1 $0x1  }
0x5e: {  	s31 =	simm.s32 $0x1;
	[sflag:s30] =	ssyncpa.u1 $0x1  }
0x5f: {  	[sflag:s31] =	ssyncpa.u1 $0x1  }
0x60: {  	p0 =	sne.s32 s0, $0x0;
	_ =	strace $0x9000004A  }
0x61: {  	s0 =	sadd.s32 @!p0 $0x100000, s2;
	[bflag:$0x2] =	sbarrier.arrive $0xFFFF  }
0x62: {  	[sflag:s0] =	ssyncadd.tile.s32 @!p0 $0x1;
	_ =	shalt  }
.Lfunc_end2:
_tile_overlayer_lowered:
.L_overlay_start_2:
0x63: {  	(tag) =	ssettag $0x2  }
0x64: {  	s0 =	rddreg [dreg:$0x0];
	s2 =	stileid.u32  }
0x65: {  	s1 =	rddreg [dreg:$0x1];
	p0 =	sne.s32 s2, $0x0  }
0x66: {  	s3 =	rddreg [dreg:$0x2];
	[bflag:$0x3] =	sbarrier.arrive $0xFFFF;
	s2 =	simm.s32 @!p0 $0x1C01  }
0x67: {  	[timem:s3], [sflag:s2] =	dma.local @!p0 [hbm:s0], s1  }
0x68: {  	s0 =	simm.s32 @!p0 $0x1  }
0x69: {  	_ =	swait.ge @!p0 [sflag:s0], s1  }
0x6a: {  	s1 =	ssub.s32 @!p0 $0x0, s1;
	[sflag:s0] =	ssyncset.done @!p0 $0x0  }
0x6b: {  	[sflag:s0] =	ssyncadd.s32 @!p0 s1  }
0x6c: {  	[bflag:$0x3] =	sbarrier.arrive $0xFFFF  }
0x6d: {  	_ =	shalt  }

</sc_bundles>
